<compile_context>
chip_gen: v7x
topology: tpu7x:2x2x1
jax: 0.10.2.dev20260603
libtpu: 0.0.44.dev20260713+nightly
codegen_flags: <defaults>
</compile_context>

<pallas_src>
import functools

import jax
import jax.numpy as jnp
from jax import lax
from jax.experimental import pallas as pl
from jax.experimental.pallas import tpu as pltpu
from jax.experimental.pallas import tpu_sc as plsc

N = 10000
E = 320000
D = 128

NC = 2
NS = 16
NW = NC * NS
L = 16

NPAD = 10240
CHUNK = 128
CH = 79
EPW = CH * CHUNK
EPAD = NW * EPW
RPW = NPAD // NS

_mesh = plsc.VectorSubcoreMesh(
    core_axis_name="c", subcore_axis_name="s", num_cores=NC, num_subcores=NS)


def _sc_bincount_body(roww, ones_in, zrow, deg_out, idx_v, ones_v, deg_sp):
    c = lax.axis_index("c")
    s = lax.axis_index("s")
    wid = s * NC + c
    pltpu.sync_copy(ones_in, ones_v)
    pltpu.sync_copy(roww.at[wid], idx_v)
    pltpu.sync_copy(zrow, deg_sp.at[pl.ds(s * RPW, RPW)])
    plsc.subcore_barrier()

    def chunk(j, carry):
        pltpu.sync_copy(ones_v, deg_sp.at[idx_v.at[j]], add=True)
        return carry

    lax.fori_loop(0, CH, chunk, 0)
    plsc.subcore_barrier()
    pltpu.sync_copy(deg_sp.at[pl.ds(s * RPW, RPW)],
                    deg_out.at[c, pl.ds(s * RPW, RPW)])


_sc_bincount = pl.kernel(
    _sc_bincount_body,
    out_type=jax.ShapeDtypeStruct((NC, NPAD), jnp.float32),
    mesh=_mesh,
    scratch_types=[
        pltpu.VMEM((CH, CHUNK), jnp.int32),
        pltpu.VMEM((CHUNK,), jnp.float32),
        pltpu.VMEM_SHARED((NPAD,), jnp.float32),
    ],
)


def _sc_agg_body(y, colw, roww, zrows, p_out, colv, rowv, rows_v, acc_sp, sem):
    c = lax.axis_index("c")
    s = lax.axis_index("s")
    wid = s * NC + c
    @pl.when(c == 0)
    def _():
        @pl.when(s < NS - 1)
        def _():
            pltpu.sync_copy(y.at[pl.ds(s * RPW, RPW), :],
                            acc_sp.at[pl.ds(s * RPW, RPW), :])

        @pl.when(s == NS - 1)
        def _():
            pltpu.sync_copy(y.at[pl.ds(s * RPW, N - s * RPW), :],
                            acc_sp.at[pl.ds(s * RPW, N - s * RPW), :])
            pltpu.sync_copy(zrows.at[pl.ds(0, NPAD - N), :],
                            acc_sp.at[pl.ds(N, NPAD - N), :])

    @pl.when(c == 1)
    def _():
        pltpu.sync_copy(zrows, acc_sp.at[pl.ds(s * RPW, RPW), :])

    pltpu.sync_copy(colw.at[wid], colv)
    pltpu.sync_copy(roww.at[wid], rowv)
    plsc.subcore_barrier()

    def chunk(j, carry):
        pltpu.async_copy(y.at[colv.at[j]], rows_v, sem).wait()
        pltpu.sync_copy(rows_v, acc_sp.at[rowv.at[j]], add=True)
        return carry

    lax.fori_loop(0, CH, chunk, 0)
    plsc.subcore_barrier()
    pltpu.sync_copy(acc_sp.at[pl.ds(s * RPW, RPW), :],
                    p_out.at[c, pl.ds(s * RPW, RPW), :])


_sc_agg = pl.kernel(
    _sc_agg_body,
    out_type=jax.ShapeDtypeStruct((NC, NPAD, D), jnp.float32),
    mesh=_mesh,
    scratch_types=[
        pltpu.VMEM((CH, CHUNK), jnp.int32),
        pltpu.VMEM((CH, CHUNK), jnp.int32),
        pltpu.VMEM((CHUNK, D), jnp.float32),
        pltpu.VMEM_SHARED((NPAD, D), jnp.float32),
        pltpu.SemaphoreType.DMA,
    ],
)

_BN = 2000


def _tc_mm_body(x_ref, w_ref, deg_ref, y_ref):
    deg = deg_ref[:, 0] + deg_ref[:, 1] + 1.0
    dis = lax.rsqrt(deg)
    acc = jnp.dot(x_ref[...], w_ref[...], preferred_element_type=jnp.float32)
    y_ref[...] = acc * dis[:, None]


def _tc_mm(x, w, degT):
    return pl.pallas_call(
        _tc_mm_body,
        grid=(N // _BN,),
        in_specs=[
            pl.BlockSpec((_BN, D), lambda i: (i, 0)),
            pl.BlockSpec((D, D), lambda i: (0, 0)),
            pl.BlockSpec((_BN, NC), lambda i: (i, 0)),
        ],
        out_specs=pl.BlockSpec((_BN, D), lambda i: (i, 0)),
        out_shape=jax.ShapeDtypeStruct((N, D), jnp.float32),
    )(x, w, degT)


def _tc_ep_body(p_ref, deg_ref, b_ref, o_ref):
    deg = deg_ref[:, 0] + deg_ref[:, 1] + 1.0
    dis = lax.rsqrt(deg)
    agg = p_ref[0] + p_ref[1]
    o_ref[...] = agg * dis[:, None] + b_ref[...]


def _tc_ep(p, degT, bias2):
    return pl.pallas_call(
        _tc_ep_body,
        grid=(N // _BN,),
        in_specs=[
            pl.BlockSpec((NC, _BN, D), lambda i: (0, i, 0)),
            pl.BlockSpec((_BN, NC), lambda i: (i, 0)),
            pl.BlockSpec((1, D), lambda i: (0, 0)),
        ],
        out_specs=pl.BlockSpec((_BN, D), lambda i: (i, 0)),
        out_shape=jax.ShapeDtypeStruct((N, D), jnp.float32),
    )(p, degT, bias2)


@jax.jit
def kernel(x, edge_index, weight, bias):
    row = edge_index[0]
    col = edge_index[1]
    pad = EPAD - E
    rowp = jnp.concatenate(
        [row, jnp.full((pad,), NPAD - 1, jnp.int32)]).reshape(NW, CH, CHUNK)
    colp = jnp.concatenate(
        [col, jnp.zeros((pad,), jnp.int32)]).reshape(NW, CH, CHUNK)
    ones_in = jnp.ones((CHUNK,), jnp.float32)
    zrow = jnp.zeros((RPW,), jnp.float32)
    zrows = jnp.zeros((RPW, D), jnp.float32)

    deg2 = _sc_bincount(rowp, ones_in, zrow)
    degT = deg2.T
    y = _tc_mm(x, weight, degT)
    p = _sc_agg(y, colp, rowp, zrows)
    return _tc_ep(p, degT, bias.reshape(1, D))

# --- scband reference (transcript-rebuilt; emitter-appended) ---
"""Pipeline reference for scband-gcnlayer-67654324846792 (READ-ONLY COPY).

The authoritative reference and input builder live on the scoring server;
editing this copy changes nothing except your own understanding.
"""

import jax, jax.numpy as jnp
import numpy as np

N = 10000
E = 320000
D_IN = 128
D_OUT = 128


def setup_inputs(seed: int = 0) -> dict:
    key = jax.random.key(seed)
    k1, k2, k3 = jax.random.split(key, 3)
    x = jax.random.normal(k1, (N, D_IN), dtype=jnp.float32)
    edge_index = jax.random.randint(k2, (2, E), 0, N, dtype=jnp.int32)
    # xavier_uniform init for weight, zeros for bias
    limit = float(np.sqrt(6.0 / (D_IN + D_OUT)))
    weight = jax.random.uniform(k3, (D_IN, D_OUT), dtype=jnp.float32, minval=-limit, maxval=limit)
    bias = jnp.zeros((D_OUT,), dtype=jnp.float32)
    return {"x": x, "edge_index": edge_index, "weight": weight, "bias": bias}


def reference(x, edge_index, weight, bias):
    num_nodes = x.shape[0]
    idx = jnp.arange(num_nodes, dtype=edge_index.dtype)
    self_loops = jnp.stack([idx, idx], axis=0)
    edge_index_with_loops = jnp.concatenate([edge_index, self_loops], axis=1)
    row = edge_index_with_loops[0]
    col = edge_index_with_loops[1]
    deg = jnp.bincount(row, length=num_nodes).astype(jnp.float32)
    deg_inv_sqrt = jnp.power(deg, -0.5)
    deg_inv_sqrt = jnp.where(jnp.isinf(deg_inv_sqrt), 0.0, deg_inv_sqrt)
    norm = deg_inv_sqrt[row] * deg_inv_sqrt[col]
    support = x @ weight
    # sparse.mm(adj, support): out[i] = sum_{edges e with row[e]==i} norm[e] * support[col[e]]
    messages = support[col] * norm[:, None]
    output = jax.ops.segment_sum(messages, row, num_segments=num_nodes)
    return output + bias

if __name__ == "__main__":
    import jax
    _d = setup_inputs()
    print(jax.jit(kernel)(*tuple(_d.values())))

</pallas_src>

<mosaic_0001>
#map = affine_map<(d0, d1) -> (0, 0)>
#map1 = affine_map<(d0, d1) -> (0, 0, 0)>
module attributes {stable_mosaic.version = 14 : i64} {
  func.func @_sc_agg_body(%arg0: i32, %arg1: i32, %arg2: memref<10000x128xf32, #tpu.memory_space<hbm>>, %arg3: memref<32x79x128xi32, #tpu.memory_space<hbm>>, %arg4: memref<32x79x128xi32, #tpu.memory_space<hbm>>, %arg5: memref<640x128xf32, #tpu.memory_space<hbm>>, %arg6: memref<2x10240x128xf32, #tpu.memory_space<hbm>>, %arg7: memref<79x128xi32, #tpu.memory_space<vmem>>, %arg8: memref<79x128xi32, #tpu.memory_space<vmem>>, %arg9: memref<128x128xf32, #tpu.memory_space<vmem>>, %arg10: memref<10240x128xf32, #tpu.memory_space<vmem_shared>>, %arg11: memref<!tpu.dma_semaphore, #tpu.memory_space<semaphore_mem>>) attributes {dimension_semantics = [#tpu.dimension_semantics<core_parallel>, #tpu.dimension_semantics<subcore_parallel>], iteration_bounds = array<i64: 2, 16>, scalar_prefetch = 0 : i64, scratch_operands = 5 : i64, tpu.core_type = #tpu.core_type<sc_vector_subcore>, window_params = [{transform_indices = #map}, {transform_indices = #map1}, {transform_indices = #map1}, {transform_indices = #map}, {transform_indices = #map1}]} {
    %mul3A = arith.constant 2 : i32
    %mul3A_0 = arith.muli %arg1, %mul3A : i32
    %add3A = arith.addi %mul3A_0, %arg0 : i32
    %eq3A = arith.constant 0 : i32
    %eq3A_1 = arith.cmpi eq, %arg0, %eq3A : i32
    %convert_element_type3A = arith.extui %eq3A_1 : i1 to i32
    %cond3A = arith.constant 0 : i32
    %cond3A_2 = arith.cmpi ne, %convert_element_type3A, %cond3A : i32
    scf.if %cond3A_2 {
      %lt3A = arith.constant 15 : i32
      %lt3A_18 = arith.cmpi slt, %arg1, %lt3A : i32
      %convert_element_type3A_19 = arith.extui %lt3A_18 : i1 to i32
      %cond3A_20 = arith.constant 0 : i32
      %cond3A_21 = arith.cmpi ne, %convert_element_type3A_19, %cond3A_20 : i32
      scf.if %cond3A_21 {
        %mul3A_27 = arith.constant 640 : i32
        %mul3A_28 = arith.muli %arg1, %mul3A_27 : i32
        %mul3A_29 = arith.constant 640 : i32
        %mul3A_30 = arith.muli %arg1, %mul3A_29 : i32
        "tpu.region"() ({
          %run_scoped3A = tpu.sem_alloc : memref<!tpu.dma_semaphore, #tpu.memory_space<semaphore_mem>>
          %dma_start3A = arith.constant 0 : i32
          %dma_start3A_31 = tpu.memref_slice %arg10[%mul3A_30, %dma_start3A] : memref<10240x128xf32, #tpu.memory_space<vmem_shared>> -> memref<640x128xf32, #tpu.memory_space<vmem_shared>>
          %dma_start3A_32 = arith.constant 0 : i32
          %dma_start3A_33 = tpu.memref_slice %arg2[%mul3A_28, %dma_start3A_32] : memref<10000x128xf32, #tpu.memory_space<hbm>> -> memref<640x128xf32, #tpu.memory_space<hbm>>
          tpu.enqueue_dma source(%dma_start3A_33 : memref<640x128xf32, #tpu.memory_space<hbm>>) target(%dma_start3A_31 : memref<640x128xf32, #tpu.memory_space<vmem_shared>>) target_semaphore(%run_scoped3A : memref<!tpu.dma_semaphore, #tpu.memory_space<semaphore_mem>>)
          %dma_wait3A = arith.constant 0 : i32
          %dma_wait3A_34 = tpu.memref_slice %arg10[%mul3A_30, %dma_wait3A] : memref<10240x128xf32, #tpu.memory_space<vmem_shared>> -> memref<640x128xf32, #tpu.memory_space<vmem_shared>>
          %dma_wait3A_35 = arith.constant 0 : i32
          %dma_wait3A_36 = tpu.memref_slice %arg2[%mul3A_28, %dma_wait3A_35] : memref<10000x128xf32, #tpu.memory_space<hbm>> -> memref<640x128xf32, #tpu.memory_space<hbm>>
          tpu.wait_dma2 semaphore(%run_scoped3A : memref<!tpu.dma_semaphore, #tpu.memory_space<semaphore_mem>>) src(%dma_wait3A_36 : memref<640x128xf32, #tpu.memory_space<hbm>>) dst(%dma_wait3A_34 : memref<640x128xf32, #tpu.memory_space<vmem_shared>>)
          tpu.yield
        }) : () -> ()
      } else {
      }
      %eq3A_22 = arith.constant 15 : i32
      %eq3A_23 = arith.cmpi eq, %arg1, %eq3A_22 : i32
      %convert_element_type3A_24 = arith.extui %eq3A_23 : i1 to i32
      %cond3A_25 = arith.constant 0 : i32
      %cond3A_26 = arith.cmpi ne, %convert_element_type3A_24, %cond3A_25 : i32
      scf.if %cond3A_26 {
        %mul3A_27 = arith.constant 640 : i32
        %mul3A_28 = arith.muli %arg1, %mul3A_27 : i32
        %mul3A_29 = arith.constant 640 : i32
        %mul3A_30 = arith.muli %arg1, %mul3A_29 : i32
        %sub3A = arith.constant 10000 : i32
        %sub3A_31 = arith.subi %sub3A, %mul3A_30 : i32
        %mul3A_32 = arith.constant 640 : i32
        %mul3A_33 = arith.muli %arg1, %mul3A_32 : i32
        %mul3A_34 = arith.constant 640 : i32
        %mul3A_35 = arith.muli %arg1, %mul3A_34 : i32
        %sub3A_36 = arith.constant 10000 : i32
        %sub3A_37 = arith.subi %sub3A_36, %mul3A_35 : i32
        "tpu.region"() ({
          %run_scoped3A = tpu.sem_alloc : memref<!tpu.dma_semaphore, #tpu.memory_space<semaphore_mem>>
          %dma_start3A = arith.constant 0 : i32
          %dma_start3A_38 = tpu.memref_slice %arg10[%mul3A_33, %dma_start3A] <%sub3A_37> : memref<10240x128xf32, #tpu.memory_space<vmem_shared>> -> memref<?x128xf32, #tpu.memory_space<vmem_shared>>
          %dma_start3A_39 = arith.constant 0 : i32
          %dma_start3A_40 = tpu.memref_slice %arg2[%mul3A_28, %dma_start3A_39] <%sub3A_31> : memref<10000x128xf32, #tpu.memory_space<hbm>> -> memref<?x128xf32, #tpu.memory_space<hbm>>
          tpu.enqueue_dma source(%dma_start3A_40 : memref<?x128xf32, #tpu.memory_space<hbm>>) target(%dma_start3A_38 : memref<?x128xf32, #tpu.memory_space<vmem_shared>>) target_semaphore(%run_scoped3A : memref<!tpu.dma_semaphore, #tpu.memory_space<semaphore_mem>>)
          %dma_wait3A = arith.constant 0 : i32
          %dma_wait3A_41 = tpu.memref_slice %arg10[%mul3A_33, %dma_wait3A] <%sub3A_37> : memref<10240x128xf32, #tpu.memory_space<vmem_shared>> -> memref<?x128xf32, #tpu.memory_space<vmem_shared>>
          %dma_wait3A_42 = arith.constant 0 : i32
          %dma_wait3A_43 = tpu.memref_slice %arg2[%mul3A_28, %dma_wait3A_42] <%sub3A_31> : memref<10000x128xf32, #tpu.memory_space<hbm>> -> memref<?x128xf32, #tpu.memory_space<hbm>>
          tpu.wait_dma2 semaphore(%run_scoped3A : memref<!tpu.dma_semaphore, #tpu.memory_space<semaphore_mem>>) src(%dma_wait3A_43 : memref<?x128xf32, #tpu.memory_space<hbm>>) dst(%dma_wait3A_41 : memref<?x128xf32, #tpu.memory_space<vmem_shared>>)
          tpu.yield
        }) : () -> ()
        "tpu.region"() ({
          %run_scoped3A = tpu.sem_alloc : memref<!tpu.dma_semaphore, #tpu.memory_space<semaphore_mem>>
          %dma_start3A = arith.constant 10000 : i32
          %dma_start3A_38 = arith.constant 0 : i32
          %dma_start3A_39 = tpu.memref_slice %arg10[%dma_start3A, %dma_start3A_38] : memref<10240x128xf32, #tpu.memory_space<vmem_shared>> -> memref<240x128xf32, #tpu.memory_space<vmem_shared>>
          %dma_start3A_40 = arith.constant 0 : i32
          %dma_start3A_41 = arith.constant 0 : i32
          %dma_start3A_42 = tpu.memref_slice %arg5[%dma_start3A_40, %dma_start3A_41] : memref<640x128xf32, #tpu.memory_space<hbm>> -> memref<240x128xf32, #tpu.memory_space<hbm>>
          tpu.enqueue_dma source(%dma_start3A_42 : memref<240x128xf32, #tpu.memory_space<hbm>>) target(%dma_start3A_39 : memref<240x128xf32, #tpu.memory_space<vmem_shared>>) target_semaphore(%run_scoped3A : memref<!tpu.dma_semaphore, #tpu.memory_space<semaphore_mem>>)
          %dma_wait3A = arith.constant 10000 : i32
          %dma_wait3A_43 = arith.constant 0 : i32
          %dma_wait3A_44 = tpu.memref_slice %arg10[%dma_wait3A, %dma_wait3A_43] : memref<10240x128xf32, #tpu.memory_space<vmem_shared>> -> memref<240x128xf32, #tpu.memory_space<vmem_shared>>
          %dma_wait3A_45 = arith.constant 0 : i32
          %dma_wait3A_46 = arith.constant 0 : i32
          %dma_wait3A_47 = tpu.memref_slice %arg5[%dma_wait3A_45, %dma_wait3A_46] : memref<640x128xf32, #tpu.memory_space<hbm>> -> memref<240x128xf32, #tpu.memory_space<hbm>>
          tpu.wait_dma2 semaphore(%run_scoped3A : memref<!tpu.dma_semaphore, #tpu.memory_space<semaphore_mem>>) src(%dma_wait3A_47 : memref<240x128xf32, #tpu.memory_space<hbm>>) dst(%dma_wait3A_44 : memref<240x128xf32, #tpu.memory_space<vmem_shared>>)
          tpu.yield
        }) : () -> ()
      } else {
      }
    } else {
    }
    %eq3A_3 = arith.constant 1 : i32
    %eq3A_4 = arith.cmpi eq, %arg0, %eq3A_3 : i32
    %convert_element_type3A_5 = arith.extui %eq3A_4 : i1 to i32
    %cond3A_6 = arith.constant 0 : i32
    %cond3A_7 = arith.cmpi ne, %convert_element_type3A_5, %cond3A_6 : i32
    scf.if %cond3A_7 {
      %mul3A_18 = arith.constant 640 : i32
      %mul3A_19 = arith.muli %arg1, %mul3A_18 : i32
      "tpu.region"() ({
        %run_scoped3A = tpu.sem_alloc : memref<!tpu.dma_semaphore, #tpu.memory_space<semaphore_mem>>
        %dma_start3A = arith.constant 0 : i32
        %dma_start3A_20 = tpu.memref_slice %arg10[%mul3A_19, %dma_start3A] : memref<10240x128xf32, #tpu.memory_space<vmem_shared>> -> memref<640x128xf32, #tpu.memory_space<vmem_shared>>
        tpu.enqueue_dma source(%arg5 : memref<640x128xf32, #tpu.memory_space<hbm>>) target(%dma_start3A_20 : memref<640x128xf32, #tpu.memory_space<vmem_shared>>) target_semaphore(%run_scoped3A : memref<!tpu.dma_semaphore, #tpu.memory_space<semaphore_mem>>)
        %dma_wait3A = arith.constant 0 : i32
        %dma_wait3A_21 = tpu.memref_slice %arg10[%mul3A_19, %dma_wait3A] : memref<10240x128xf32, #tpu.memory_space<vmem_shared>> -> memref<640x128xf32, #tpu.memory_space<vmem_shared>>
        tpu.wait_dma2 semaphore(%run_scoped3A : memref<!tpu.dma_semaphore, #tpu.memory_space<semaphore_mem>>) src(%arg5 : memref<640x128xf32, #tpu.memory_space<hbm>>) dst(%dma_wait3A_21 : memref<640x128xf32, #tpu.memory_space<vmem_shared>>)
        tpu.yield
      }) : () -> ()
    } else {
    }
    "tpu.region"() ({
      %run_scoped3A = tpu.sem_alloc : memref<!tpu.dma_semaphore, #tpu.memory_space<semaphore_mem>>
      %dma_start3A = arith.constant 0 : i32
      %dma_start3A_18 = arith.constant 0 : i32
      %dma_start3A_19 = tpu.memref_slice %arg3[%add3A, %dma_start3A, %dma_start3A_18] : memref<32x79x128xi32, #tpu.memory_space<hbm>> -> memref<1x79x128xi32, #tpu.memory_space<hbm>>
      %dma_start3A_20 = tpu.memref_squeeze %dma_start3A_19 : memref<1x79x128xi32, #tpu.memory_space<hbm>> -> memref<79x128xi32, #tpu.memory_space<hbm>>
      %dma_start3A_21 = arith.constant 0 : i32
      %dma_start3A_22 = arith.constant 0 : i32
      %dma_start3A_23 = tpu.memref_slice %arg3[%add3A, %dma_start3A_21, %dma_start3A_22] : memref<32x79x128xi32, #tpu.memory_space<hbm>> -> memref<1x79x128xi32, #tpu.memory_space<hbm>>
      %dma_start3A_24 = tpu.memref_squeeze %dma_start3A_23 : memref<1x79x128xi32, #tpu.memory_space<hbm>> -> memref<79x128xi32, #tpu.memory_space<hbm>>
      tpu.enqueue_dma source(%dma_start3A_24 : memref<79x128xi32, #tpu.memory_space<hbm>>) target(%arg7 : memref<79x128xi32, #tpu.memory_space<vmem>>) target_semaphore(%run_scoped3A : memref<!tpu.dma_semaphore, #tpu.memory_space<semaphore_mem>>)
      %dma_wait3A = arith.constant 0 : i32
      %dma_wait3A_25 = arith.constant 0 : i32
      %dma_wait3A_26 = tpu.memref_slice %arg3[%add3A, %dma_wait3A, %dma_wait3A_25] : memref<32x79x128xi32, #tpu.memory_space<hbm>> -> memref<1x79x128xi32, #tpu.memory_space<hbm>>
      %dma_wait3A_27 = tpu.memref_squeeze %dma_wait3A_26 : memref<1x79x128xi32, #tpu.memory_space<hbm>> -> memref<79x128xi32, #tpu.memory_space<hbm>>
      %dma_wait3A_28 = arith.constant 0 : i32
      %dma_wait3A_29 = arith.constant 0 : i32
      %dma_wait3A_30 = tpu.memref_slice %arg3[%add3A, %dma_wait3A_28, %dma_wait3A_29] : memref<32x79x128xi32, #tpu.memory_space<hbm>> -> memref<1x79x128xi32, #tpu.memory_space<hbm>>
      %dma_wait3A_31 = tpu.memref_squeeze %dma_wait3A_30 : memref<1x79x128xi32, #tpu.memory_space<hbm>> -> memref<79x128xi32, #tpu.memory_space<hbm>>
      tpu.wait_dma2 semaphore(%run_scoped3A : memref<!tpu.dma_semaphore, #tpu.memory_space<semaphore_mem>>) src(%dma_wait3A_31 : memref<79x128xi32, #tpu.memory_space<hbm>>) dst(%arg7 : memref<79x128xi32, #tpu.memory_space<vmem>>)
      tpu.yield
    }) : () -> ()
    "tpu.region"() ({
      %run_scoped3A = tpu.sem_alloc : memref<!tpu.dma_semaphore, #tpu.memory_space<semaphore_mem>>
      %dma_start3A = arith.constant 0 : i32
      %dma_start3A_18 = arith.constant 0 : i32
      %dma_start3A_19 = tpu.memref_slice %arg4[%add3A, %dma_start3A, %dma_start3A_18] : memref<32x79x128xi32, #tpu.memory_space<hbm>> -> memref<1x79x128xi32, #tpu.memory_space<hbm>>
      %dma_start3A_20 = tpu.memref_squeeze %dma_start3A_19 : memref<1x79x128xi32, #tpu.memory_space<hbm>> -> memref<79x128xi32, #tpu.memory_space<hbm>>
      %dma_start3A_21 = arith.constant 0 : i32
      %dma_start3A_22 = arith.constant 0 : i32
      %dma_start3A_23 = tpu.memref_slice %arg4[%add3A, %dma_start3A_21, %dma_start3A_22] : memref<32x79x128xi32, #tpu.memory_space<hbm>> -> memref<1x79x128xi32, #tpu.memory_space<hbm>>
      %dma_start3A_24 = tpu.memref_squeeze %dma_start3A_23 : memref<1x79x128xi32, #tpu.memory_space<hbm>> -> memref<79x128xi32, #tpu.memory_space<hbm>>
      tpu.enqueue_dma source(%dma_start3A_24 : memref<79x128xi32, #tpu.memory_space<hbm>>) target(%arg8 : memref<79x128xi32, #tpu.memory_space<vmem>>) target_semaphore(%run_scoped3A : memref<!tpu.dma_semaphore, #tpu.memory_space<semaphore_mem>>)
      %dma_wait3A = arith.constant 0 : i32
      %dma_wait3A_25 = arith.constant 0 : i32
      %dma_wait3A_26 = tpu.memref_slice %arg4[%add3A, %dma_wait3A, %dma_wait3A_25] : memref<32x79x128xi32, #tpu.memory_space<hbm>> -> memref<1x79x128xi32, #tpu.memory_space<hbm>>
      %dma_wait3A_27 = tpu.memref_squeeze %dma_wait3A_26 : memref<1x79x128xi32, #tpu.memory_space<hbm>> -> memref<79x128xi32, #tpu.memory_space<hbm>>
      %dma_wait3A_28 = arith.constant 0 : i32
      %dma_wait3A_29 = arith.constant 0 : i32
      %dma_wait3A_30 = tpu.memref_slice %arg4[%add3A, %dma_wait3A_28, %dma_wait3A_29] : memref<32x79x128xi32, #tpu.memory_space<hbm>> -> memref<1x79x128xi32, #tpu.memory_space<hbm>>
      %dma_wait3A_31 = tpu.memref_squeeze %dma_wait3A_30 : memref<1x79x128xi32, #tpu.memory_space<hbm>> -> memref<79x128xi32, #tpu.memory_space<hbm>>
      tpu.wait_dma2 semaphore(%run_scoped3A : memref<!tpu.dma_semaphore, #tpu.memory_space<semaphore_mem>>) src(%dma_wait3A_31 : memref<79x128xi32, #tpu.memory_space<hbm>>) dst(%arg8 : memref<79x128xi32, #tpu.memory_space<vmem>>)
      tpu.yield
    }) : () -> ()
    %barrier3A = arith.constant 0 : index
    tpu.barrier barrier_id(%barrier3A)
    %scan3A = arith.constant 0 : i32
    %scan3A_8 = arith.constant 0 : i32
    %scan3A_9 = arith.constant 79 : i32
    %scan3A_10 = arith.addi %scan3A_8, %scan3A_9 : i32
    %scan3A_11 = arith.constant 1 : i32
    scf.for %scan3A_18 = %scan3A_8 to %scan3A_10 step %scan3A_11  : i32 {
      %dma_start3A = arith.constant 0 : i32
      %dma_start3A_19 = tpu.memref_slice %arg7[%scan3A_18, %dma_start3A] : memref<79x128xi32, #tpu.memory_space<vmem>> -> memref<1x128xi32, #tpu.memory_space<vmem>>
      %dma_start3A_20 = tpu.memref_squeeze %dma_start3A_19 : memref<1x128xi32, #tpu.memory_space<vmem>> -> memref<128xi32, #tpu.memory_space<vmem>>
      %dma_start3A_21 = arith.constant 0 : i32
      %dma_start3A_22 = arith.constant 0 : i32
      %dma_start3A_23 = tpu.memref_slice %arg2[%dma_start3A_21, %dma_start3A_22] : memref<10000x128xf32, #tpu.memory_space<hbm>> -> memref<10000x128xf32, #tpu.memory_space<hbm>>
      tpu.enqueue_indirect_dma source(%dma_start3A_23 : memref<10000x128xf32, #tpu.memory_space<hbm>>) target(%arg9 : memref<128x128xf32, #tpu.memory_space<vmem>>) offsets(%dma_start3A_20 : memref<128xi32, #tpu.memory_space<vmem>>) semaphore(%arg11 : memref<!tpu.dma_semaphore, #tpu.memory_space<semaphore_mem>>)
      %dma_wait3A = arith.constant 0 : i32
      %dma_wait3A_24 = tpu.memref_slice %arg7[%scan3A_18, %dma_wait3A] : memref<79x128xi32, #tpu.memory_space<vmem>> -> memref<1x128xi32, #tpu.memory_space<vmem>>
      %dma_wait3A_25 = tpu.memref_squeeze %dma_wait3A_24 : memref<1x128xi32, #tpu.memory_space<vmem>> -> memref<128xi32, #tpu.memory_space<vmem>>
      %dma_wait3A_26 = arith.constant 0 : i32
      %dma_wait3A_27 = arith.constant 0 : i32
      %dma_wait3A_28 = tpu.memref_slice %arg2[%dma_wait3A_26, %dma_wait3A_27] : memref<10000x128xf32, #tpu.memory_space<hbm>> -> memref<10000x128xf32, #tpu.memory_space<hbm>>
      tpu.wait_indirect_dma semaphore(%arg11 : memref<!tpu.dma_semaphore, #tpu.memory_space<semaphore_mem>>) src(%dma_wait3A_28 : memref<10000x128xf32, #tpu.memory_space<hbm>>) dst(%arg9 : memref<128x128xf32, #tpu.memory_space<vmem>>)
      "tpu.region"() ({
        %run_scoped3A = tpu.sem_alloc : memref<!tpu.dma_semaphore, #tpu.memory_space<semaphore_mem>>
        %dma_start3A_29 = arith.constant 0 : i32
        %dma_start3A_30 = tpu.memref_slice %arg8[%scan3A_18, %dma_start3A_29] : memref<79x128xi32, #tpu.memory_space<vmem>> -> memref<1x128xi32, #tpu.memory_space<vmem>>
        %dma_start3A_31 = tpu.memref_squeeze %dma_start3A_30 : memref<1x128xi32, #tpu.memory_space<vmem>> -> memref<128xi32, #tpu.memory_space<vmem>>
        %dma_start3A_32 = arith.constant 0 : i32
        %dma_start3A_33 = arith.constant 0 : i32
        %dma_start3A_34 = tpu.memref_slice %arg10[%dma_start3A_32, %dma_start3A_33] : memref<10240x128xf32, #tpu.memory_space<vmem_shared>> -> memref<10240x128xf32, #tpu.memory_space<vmem_shared>>
        tpu.enqueue_indirect_dma source(%arg9 : memref<128x128xf32, #tpu.memory_space<vmem>>) target(%dma_start3A_34 : memref<10240x128xf32, #tpu.memory_space<vmem_shared>>) offsets(%dma_start3A_31 : memref<128xi32, #tpu.memory_space<vmem>>) semaphore(%run_scoped3A : memref<!tpu.dma_semaphore, #tpu.memory_space<semaphore_mem>>) {add = true}
        %dma_wait3A_35 = arith.constant 0 : i32
        %dma_wait3A_36 = tpu.memref_slice %arg8[%scan3A_18, %dma_wait3A_35] : memref<79x128xi32, #tpu.memory_space<vmem>> -> memref<1x128xi32, #tpu.memory_space<vmem>>
        %dma_wait3A_37 = tpu.memref_squeeze %dma_wait3A_36 : memref<1x128xi32, #tpu.memory_space<vmem>> -> memref<128xi32, #tpu.memory_space<vmem>>
        %dma_wait3A_38 = arith.constant 0 : i32
        %dma_wait3A_39 = arith.constant 0 : i32
        %dma_wait3A_40 = tpu.memref_slice %arg10[%dma_wait3A_38, %dma_wait3A_39] : memref<10240x128xf32, #tpu.memory_space<vmem_shared>> -> memref<10240x128xf32, #tpu.memory_space<vmem_shared>>
        tpu.wait_indirect_dma semaphore(%run_scoped3A : memref<!tpu.dma_semaphore, #tpu.memory_space<semaphore_mem>>) src(%arg9 : memref<128x128xf32, #tpu.memory_space<vmem>>) dst(%dma_wait3A_40 : memref<10240x128xf32, #tpu.memory_space<vmem_shared>>)
        tpu.yield
      }) : () -> ()
    }
    %scan3A_12 = arith.constant 79 : i32
    %barrier3A_13 = arith.constant 0 : index
    tpu.barrier barrier_id(%barrier3A_13)
    %mul3A_14 = arith.constant 640 : i32
    %mul3A_15 = arith.muli %arg1, %mul3A_14 : i32
    %mul3A_16 = arith.constant 640 : i32
    %mul3A_17 = arith.muli %arg1, %mul3A_16 : i32
    "tpu.region"() ({
      %run_scoped3A = tpu.sem_alloc : memref<!tpu.dma_semaphore, #tpu.memory_space<semaphore_mem>>
      %dma_start3A = arith.constant 0 : i32
      %dma_start3A_18 = tpu.memref_slice %arg6[%arg0, %mul3A_17, %dma_start3A] : memref<2x10240x128xf32, #tpu.memory_space<hbm>> -> memref<1x640x128xf32, #tpu.memory_space<hbm>>
      %dma_start3A_19 = tpu.memref_squeeze %dma_start3A_18 : memref<1x640x128xf32, #tpu.memory_space<hbm>> -> memref<640x128xf32, #tpu.memory_space<hbm>>
      %dma_start3A_20 = arith.constant 0 : i32
      %dma_start3A_21 = tpu.memref_slice %arg10[%mul3A_15, %dma_start3A_20] : memref<10240x128xf32, #tpu.memory_space<vmem_shared>> -> memref<640x128xf32, #tpu.memory_space<vmem_shared>>
      tpu.enqueue_dma source(%dma_start3A_21 : memref<640x128xf32, #tpu.memory_space<vmem_shared>>) target(%dma_start3A_19 : memref<640x128xf32, #tpu.memory_space<hbm>>) target_semaphore(%run_scoped3A : memref<!tpu.dma_semaphore, #tpu.memory_space<semaphore_mem>>)
      %dma_wait3A = arith.constant 0 : i32
      %dma_wait3A_22 = tpu.memref_slice %arg6[%arg0, %mul3A_17, %dma_wait3A] : memref<2x10240x128xf32, #tpu.memory_space<hbm>> -> memref<1x640x128xf32, #tpu.memory_space<hbm>>
      %dma_wait3A_23 = tpu.memref_squeeze %dma_wait3A_22 : memref<1x640x128xf32, #tpu.memory_space<hbm>> -> memref<640x128xf32, #tpu.memory_space<hbm>>
      %dma_wait3A_24 = arith.constant 0 : i32
      %dma_wait3A_25 = tpu.memref_slice %arg10[%mul3A_15, %dma_wait3A_24] : memref<10240x128xf32, #tpu.memory_space<vmem_shared>> -> memref<640x128xf32, #tpu.memory_space<vmem_shared>>
      tpu.wait_dma2 semaphore(%run_scoped3A : memref<!tpu.dma_semaphore, #tpu.memory_space<semaphore_mem>>) src(%dma_wait3A_25 : memref<640x128xf32, #tpu.memory_space<vmem_shared>>) dst(%dma_wait3A_23 : memref<640x128xf32, #tpu.memory_space<hbm>>)
      tpu.yield
    }) : () -> ()
    return
  }
}

#map = affine_map<(d0, d1) -> (0, 0, 0)>
#map1 = affine_map<(d0, d1) -> (0)>
#map2 = affine_map<(d0, d1) -> (0, 0)>
module attributes {stable_mosaic.version = 14 : i64} {
  func.func @_sc_bincount_body(%arg0: i32, %arg1: i32, %arg2: memref<32x79x128xi32, #tpu.memory_space<hbm>>, %arg3: memref<128xf32, #tpu.memory_space<hbm>>, %arg4: memref<640xf32, #tpu.memory_space<hbm>>, %arg5: memref<2x10240xf32, #tpu.memory_space<hbm>>, %arg6: memref<79x128xi32, #tpu.memory_space<vmem>>, %arg7: memref<128xf32, #tpu.memory_space<vmem>>, %arg8: memref<10240xf32, #tpu.memory_space<vmem_shared>>) attributes {dimension_semantics = [#tpu.dimension_semantics<core_parallel>, #tpu.dimension_semantics<subcore_parallel>], iteration_bounds = array<i64: 2, 16>, scalar_prefetch = 0 : i64, scratch_operands = 3 : i64, tpu.core_type = #tpu.core_type<sc_vector_subcore>, window_params = [{transform_indices = #map}, {transform_indices = #map1}, {transform_indices = #map1}, {transform_indices = #map2}]} {
    %mul3A = arith.constant 2 : i32
    %mul3A_0 = arith.muli %arg1, %mul3A : i32
    %add3A = arith.addi %mul3A_0, %arg0 : i32
    "tpu.region"() ({
      %run_scoped3A = tpu.sem_alloc : memref<!tpu.dma_semaphore, #tpu.memory_space<semaphore_mem>>
      tpu.enqueue_dma source(%arg3 : memref<128xf32, #tpu.memory_space<hbm>>) target(%arg7 : memref<128xf32, #tpu.memory_space<vmem>>) target_semaphore(%run_scoped3A : memref<!tpu.dma_semaphore, #tpu.memory_space<semaphore_mem>>)
      tpu.wait_dma2 semaphore(%run_scoped3A : memref<!tpu.dma_semaphore, #tpu.memory_space<semaphore_mem>>) src(%arg3 : memref<128xf32, #tpu.memory_space<hbm>>) dst(%arg7 : memref<128xf32, #tpu.memory_space<vmem>>)
      tpu.yield
    }) : () -> ()
    "tpu.region"() ({
      %run_scoped3A = tpu.sem_alloc : memref<!tpu.dma_semaphore, #tpu.memory_space<semaphore_mem>>
      %dma_start3A = arith.constant 0 : i32
      %dma_start3A_13 = arith.constant 0 : i32
      %dma_start3A_14 = tpu.memref_slice %arg2[%add3A, %dma_start3A, %dma_start3A_13] : memref<32x79x128xi32, #tpu.memory_space<hbm>> -> memref<1x79x128xi32, #tpu.memory_space<hbm>>
      %dma_start3A_15 = tpu.memref_squeeze %dma_start3A_14 : memref<1x79x128xi32, #tpu.memory_space<hbm>> -> memref<79x128xi32, #tpu.memory_space<hbm>>
      %dma_start3A_16 = arith.constant 0 : i32
      %dma_start3A_17 = arith.constant 0 : i32
      %dma_start3A_18 = tpu.memref_slice %arg2[%add3A, %dma_start3A_16, %dma_start3A_17] : memref<32x79x128xi32, #tpu.memory_space<hbm>> -> memref<1x79x128xi32, #tpu.memory_space<hbm>>
      %dma_start3A_19 = tpu.memref_squeeze %dma_start3A_18 : memref<1x79x128xi32, #tpu.memory_space<hbm>> -> memref<79x128xi32, #tpu.memory_space<hbm>>
      tpu.enqueue_dma source(%dma_start3A_19 : memref<79x128xi32, #tpu.memory_space<hbm>>) target(%arg6 : memref<79x128xi32, #tpu.memory_space<vmem>>) target_semaphore(%run_scoped3A : memref<!tpu.dma_semaphore, #tpu.memory_space<semaphore_mem>>)
      %dma_wait3A = arith.constant 0 : i32
      %dma_wait3A_20 = arith.constant 0 : i32
      %dma_wait3A_21 = tpu.memref_slice %arg2[%add3A, %dma_wait3A, %dma_wait3A_20] : memref<32x79x128xi32, #tpu.memory_space<hbm>> -> memref<1x79x128xi32, #tpu.memory_space<hbm>>
      %dma_wait3A_22 = tpu.memref_squeeze %dma_wait3A_21 : memref<1x79x128xi32, #tpu.memory_space<hbm>> -> memref<79x128xi32, #tpu.memory_space<hbm>>
      %dma_wait3A_23 = arith.constant 0 : i32
      %dma_wait3A_24 = arith.constant 0 : i32
      %dma_wait3A_25 = tpu.memref_slice %arg2[%add3A, %dma_wait3A_23, %dma_wait3A_24] : memref<32x79x128xi32, #tpu.memory_space<hbm>> -> memref<1x79x128xi32, #tpu.memory_space<hbm>>
      %dma_wait3A_26 = tpu.memref_squeeze %dma_wait3A_25 : memref<1x79x128xi32, #tpu.memory_space<hbm>> -> memref<79x128xi32, #tpu.memory_space<hbm>>
      tpu.wait_dma2 semaphore(%run_scoped3A : memref<!tpu.dma_semaphore, #tpu.memory_space<semaphore_mem>>) src(%dma_wait3A_26 : memref<79x128xi32, #tpu.memory_space<hbm>>) dst(%arg6 : memref<79x128xi32, #tpu.memory_space<vmem>>)
      tpu.yield
    }) : () -> ()
    %mul3A_1 = arith.constant 640 : i32
    %mul3A_2 = arith.muli %arg1, %mul3A_1 : i32
    "tpu.region"() ({
      %run_scoped3A = tpu.sem_alloc : memref<!tpu.dma_semaphore, #tpu.memory_space<semaphore_mem>>
      %dma_start3A = tpu.memref_slice %arg8[%mul3A_2] : memref<10240xf32, #tpu.memory_space<vmem_shared>> -> memref<640xf32, #tpu.memory_space<vmem_shared>>
      tpu.enqueue_dma source(%arg4 : memref<640xf32, #tpu.memory_space<hbm>>) target(%dma_start3A : memref<640xf32, #tpu.memory_space<vmem_shared>>) target_semaphore(%run_scoped3A : memref<!tpu.dma_semaphore, #tpu.memory_space<semaphore_mem>>)
      %dma_wait3A = tpu.memref_slice %arg8[%mul3A_2] : memref<10240xf32, #tpu.memory_space<vmem_shared>> -> memref<640xf32, #tpu.memory_space<vmem_shared>>
      tpu.wait_dma2 semaphore(%run_scoped3A : memref<!tpu.dma_semaphore, #tpu.memory_space<semaphore_mem>>) src(%arg4 : memref<640xf32, #tpu.memory_space<hbm>>) dst(%dma_wait3A : memref<640xf32, #tpu.memory_space<vmem_shared>>)
      tpu.yield
    }) : () -> ()
    %barrier3A = arith.constant 0 : index
    tpu.barrier barrier_id(%barrier3A)
    %scan3A = arith.constant 0 : i32
    %scan3A_3 = arith.constant 0 : i32
    %scan3A_4 = arith.constant 79 : i32
    %scan3A_5 = arith.addi %scan3A_3, %scan3A_4 : i32
    %scan3A_6 = arith.constant 1 : i32
    scf.for %scan3A_13 = %scan3A_3 to %scan3A_5 step %scan3A_6  : i32 {
      "tpu.region"() ({
        %run_scoped3A = tpu.sem_alloc : memref<!tpu.dma_semaphore, #tpu.memory_space<semaphore_mem>>
        %dma_start3A = arith.constant 0 : i32
        %dma_start3A_14 = tpu.memref_slice %arg6[%scan3A_13, %dma_start3A] : memref<79x128xi32, #tpu.memory_space<vmem>> -> memref<1x128xi32, #tpu.memory_space<vmem>>
        %dma_start3A_15 = tpu.memref_squeeze %dma_start3A_14 : memref<1x128xi32, #tpu.memory_space<vmem>> -> memref<128xi32, #tpu.memory_space<vmem>>
        %dma_start3A_16 = arith.constant 0 : i32
        %dma_start3A_17 = tpu.memref_slice %arg8[%dma_start3A_16] : memref<10240xf32, #tpu.memory_space<vmem_shared>> -> memref<10240xf32, #tpu.memory_space<vmem_shared>>
        tpu.enqueue_indirect_dma source(%arg7 : memref<128xf32, #tpu.memory_space<vmem>>) target(%dma_start3A_17 : memref<10240xf32, #tpu.memory_space<vmem_shared>>) offsets(%dma_start3A_15 : memref<128xi32, #tpu.memory_space<vmem>>) semaphore(%run_scoped3A : memref<!tpu.dma_semaphore, #tpu.memory_space<semaphore_mem>>) {add = true}
        %dma_wait3A = arith.constant 0 : i32
        %dma_wait3A_18 = tpu.memref_slice %arg6[%scan3A_13, %dma_wait3A] : memref<79x128xi32, #tpu.memory_space<vmem>> -> memref<1x128xi32, #tpu.memory_space<vmem>>
        %dma_wait3A_19 = tpu.memref_squeeze %dma_wait3A_18 : memref<1x128xi32, #tpu.memory_space<vmem>> -> memref<128xi32, #tpu.memory_space<vmem>>
        %dma_wait3A_20 = arith.constant 0 : i32
        %dma_wait3A_21 = tpu.memref_slice %arg8[%dma_wait3A_20] : memref<10240xf32, #tpu.memory_space<vmem_shared>> -> memref<10240xf32, #tpu.memory_space<vmem_shared>>
        tpu.wait_indirect_dma semaphore(%run_scoped3A : memref<!tpu.dma_semaphore, #tpu.memory_space<semaphore_mem>>) src(%arg7 : memref<128xf32, #tpu.memory_space<vmem>>) dst(%dma_wait3A_21 : memref<10240xf32, #tpu.memory_space<vmem_shared>>)
        tpu.yield
      }) : () -> ()
    }
    %scan3A_7 = arith.constant 79 : i32
    %barrier3A_8 = arith.constant 0 : index
    tpu.barrier barrier_id(%barrier3A_8)
    %mul3A_9 = arith.constant 640 : i32
    %mul3A_10 = arith.muli %arg1, %mul3A_9 : i32
    %mul3A_11 = arith.constant 640 : i32
    %mul3A_12 = arith.muli %arg1, %mul3A_11 : i32
    "tpu.region"() ({
      %run_scoped3A = tpu.sem_alloc : memref<!tpu.dma_semaphore, #tpu.memory_space<semaphore_mem>>
      %dma_start3A = tpu.memref_slice %arg5[%arg0, %mul3A_12] : memref<2x10240xf32, #tpu.memory_space<hbm>> -> memref<1x640xf32, #tpu.memory_space<hbm>>
      %dma_start3A_13 = tpu.memref_squeeze %dma_start3A : memref<1x640xf32, #tpu.memory_space<hbm>> -> memref<640xf32, #tpu.memory_space<hbm>>
      %dma_start3A_14 = tpu.memref_slice %arg8[%mul3A_10] : memref<10240xf32, #tpu.memory_space<vmem_shared>> -> memref<640xf32, #tpu.memory_space<vmem_shared>>
      tpu.enqueue_dma source(%dma_start3A_14 : memref<640xf32, #tpu.memory_space<vmem_shared>>) target(%dma_start3A_13 : memref<640xf32, #tpu.memory_space<hbm>>) target_semaphore(%run_scoped3A : memref<!tpu.dma_semaphore, #tpu.memory_space<semaphore_mem>>)
      %dma_wait3A = tpu.memref_slice %arg5[%arg0, %mul3A_12] : memref<2x10240xf32, #tpu.memory_space<hbm>> -> memref<1x640xf32, #tpu.memory_space<hbm>>
      %dma_wait3A_15 = tpu.memref_squeeze %dma_wait3A : memref<1x640xf32, #tpu.memory_space<hbm>> -> memref<640xf32, #tpu.memory_space<hbm>>
      %dma_wait3A_16 = tpu.memref_slice %arg8[%mul3A_10] : memref<10240xf32, #tpu.memory_space<vmem_shared>> -> memref<640xf32, #tpu.memory_space<vmem_shared>>
      tpu.wait_dma2 semaphore(%run_scoped3A : memref<!tpu.dma_semaphore, #tpu.memory_space<semaphore_mem>>) src(%dma_wait3A_16 : memref<640xf32, #tpu.memory_space<vmem_shared>>) dst(%dma_wait3A_15 : memref<640xf32, #tpu.memory_space<hbm>>)
      tpu.yield
    }) : () -> ()
    return
  }
}

module attributes {stable_mosaic.version = 14 : i64} {
  func.func @_tc_mm_body(%arg0: i32, %arg1: memref<2000x128xf32, #tpu.memory_space<vmem>>, %arg2: memref<128x128xf32, #tpu.memory_space<vmem>>, %arg3: memref<2000x2xf32, #tpu.memory_space<vmem>>, %arg4: memref<2000x128xf32, #tpu.memory_space<vmem>>) attributes {dimension_semantics = [#tpu.dimension_semantics<arbitrary>], iteration_bounds = array<i64: 5>, scalar_prefetch = 0 : i64, scratch_operands = 0 : i64, tpu.core_type = #tpu.core_type<tc>, window_params = [{transform_indices = @transform_0, window_bounds = array<i64: 2000, 128>}, {pipeline_mode = #tpu.pipeline_mode<synchronous>, transform_indices = @transform_1, window_bounds = array<i64: 128, 128>}, {transform_indices = @transform_2, window_bounds = array<i64: 2000, 2>}, {transform_indices = @transform_3, window_bounds = array<i64: 2000, 128>}]} {
    %get3A = arith.constant 0 : index
    %get3A_0 = arith.constant 0 : index
    %get3A_1 = vector.load %arg3[%get3A, %get3A_0] : memref<2000x2xf32, #tpu.memory_space<vmem>>, vector<2000x1xf32>
    %get3A_2 = vector.shape_cast %get3A_1 : vector<2000x1xf32> to vector<2000xf32>
    %get3A_3 = arith.constant 0 : index
    %get3A_4 = arith.constant 1 : index
    %get3A_5 = vector.load %arg3[%get3A_3, %get3A_4] : memref<2000x2xf32, #tpu.memory_space<vmem>>, vector<2000x1xf32>
    %get3A_6 = vector.shape_cast %get3A_5 : vector<2000x1xf32> to vector<2000xf32>
    %add3A = arith.addf %get3A_2, %get3A_6 : vector<2000xf32>
    %add3A_7 = arith.constant 1.000000e+00 : f32
    %add3A_8 = vector.broadcast %add3A_7 : f32 to vector<2000xf32>
    %add3A_9 = arith.addf %add3A, %add3A_8 : vector<2000xf32>
    %rsqrt3A = math.rsqrt %add3A_9 : vector<2000xf32>
    %get3A_10 = arith.constant 0 : index
    %get3A_11 = arith.constant 0 : index
    %get3A_12 = vector.load %arg1[%get3A_10, %get3A_11] : memref<2000x128xf32, #tpu.memory_space<vmem>>, vector<2000x128xf32>
    %get3A_13 = arith.constant 0 : index
    %get3A_14 = arith.constant 0 : index
    %get3A_15 = vector.load %arg2[%get3A_13, %get3A_14] : memref<128x128xf32, #tpu.memory_space<vmem>>, vector<128x128xf32>
    %dot_general3A = arith.constant dense<0.000000e+00> : vector<2000x128xf32>
    %dot_general3A_16 = tpu.matmul %get3A_12, %get3A_15, %dot_general3A {dimension_numbers = #tpu.dot_dimension_numbers<[1], [0], [0], [1], [0, 0, 1, 1], [], []>, transpose_lhs_hint = false} : vector<2000x128xf32>, vector<128x128xf32>, vector<2000x128xf32> -> vector<2000x128xf32>
    %broadcast_in_dim3A = vector.shape_cast %rsqrt3A : vector<2000xf32> to vector<2000x1xf32>
    %mul3A = vector.broadcast %broadcast_in_dim3A : vector<2000x1xf32> to vector<2000x128xf32>
    %mul3A_17 = arith.mulf %dot_general3A_16, %mul3A : vector<2000x128xf32>
    %swap3A = arith.constant 0 : index
    %swap3A_18 = arith.constant 0 : index
    %swap3A_19 = vector.load %arg4[%swap3A, %swap3A_18] : memref<2000x128xf32, #tpu.memory_space<vmem>>, vector<2000x128xf32>
    tpu.vector_store %arg4[%swap3A, %swap3A_18], %mul3A_17 {strides = array<i32>} : memref<2000x128xf32, #tpu.memory_space<vmem>>, vector<2000x128xf32>,
    return
  }
  func.func @transform_0(%arg0: i32) -> (i32, i32) {
    %c0_i32 = arith.constant 0 : i32
    %c0_i32_0 = arith.constant 0 : i32
    return %arg0, %c0_i32 : i32, i32
  }
  func.func @transform_1(%arg0: i32) -> (i32, i32) {
    %c0_i32 = arith.constant 0 : i32
    %c0_i32_0 = arith.constant 0 : i32
    %c0_i32_1 = arith.constant 0 : i32
    return %c0_i32, %c0_i32_0 : i32, i32
  }
  func.func @transform_2(%arg0: i32) -> (i32, i32) {
    %c0_i32 = arith.constant 0 : i32
    %c0_i32_0 = arith.constant 0 : i32
    return %arg0, %c0_i32 : i32, i32
  }
  func.func @transform_3(%arg0: i32) -> (i32, i32) {
    %c0_i32 = arith.constant 0 : i32
    %c0_i32_0 = arith.constant 0 : i32
    return %arg0, %c0_i32 : i32, i32
  }
}

module attributes {stable_mosaic.version = 14 : i64} {
  func.func @_tc_ep_body(%arg0: i32, %arg1: memref<2x2000x128xf32, #tpu.memory_space<vmem>>, %arg2: memref<2000x2xf32, #tpu.memory_space<vmem>>, %arg3: memref<1x128xf32, #tpu.memory_space<vmem>>, %arg4: memref<2000x128xf32, #tpu.memory_space<vmem>>) attributes {dimension_semantics = [#tpu.dimension_semantics<arbitrary>], iteration_bounds = array<i64: 5>, scalar_prefetch = 0 : i64, scratch_operands = 0 : i64, tpu.core_type = #tpu.core_type<tc>, window_params = [{transform_indices = @transform_0, window_bounds = array<i64: 2, 2000, 128>}, {transform_indices = @transform_1, window_bounds = array<i64: 2000, 2>}, {pipeline_mode = #tpu.pipeline_mode<synchronous>, transform_indices = @transform_2, window_bounds = array<i64: 1, 128>}, {transform_indices = @transform_3, window_bounds = array<i64: 2000, 128>}]} {
    %get3A = arith.constant 0 : index
    %get3A_0 = arith.constant 0 : index
    %get3A_1 = vector.load %arg2[%get3A, %get3A_0] : memref<2000x2xf32, #tpu.memory_space<vmem>>, vector<2000x1xf32>
    %get3A_2 = vector.shape_cast %get3A_1 : vector<2000x1xf32> to vector<2000xf32>
    %get3A_3 = arith.constant 0 : index
    %get3A_4 = arith.constant 1 : index
    %get3A_5 = vector.load %arg2[%get3A_3, %get3A_4] : memref<2000x2xf32, #tpu.memory_space<vmem>>, vector<2000x1xf32>
    %get3A_6 = vector.shape_cast %get3A_5 : vector<2000x1xf32> to vector<2000xf32>
    %add3A = arith.addf %get3A_2, %get3A_6 : vector<2000xf32>
    %add3A_7 = arith.constant 1.000000e+00 : f32
    %add3A_8 = vector.broadcast %add3A_7 : f32 to vector<2000xf32>
    %add3A_9 = arith.addf %add3A, %add3A_8 : vector<2000xf32>
    %rsqrt3A = math.rsqrt %add3A_9 : vector<2000xf32>
    %get3A_10 = arith.constant 0 : index
    %get3A_11 = arith.constant 0 : index
    %get3A_12 = arith.constant 0 : index
    %get3A_13 = vector.load %arg1[%get3A_10, %get3A_11, %get3A_12] : memref<2x2000x128xf32, #tpu.memory_space<vmem>>, vector<1x2000x128xf32>
    %get3A_14 = vector.shape_cast %get3A_13 : vector<1x2000x128xf32> to vector<2000x128xf32>
    %get3A_15 = arith.constant 1 : index
    %get3A_16 = arith.constant 0 : index
    %get3A_17 = arith.constant 0 : index
    %get3A_18 = vector.load %arg1[%get3A_15, %get3A_16, %get3A_17] : memref<2x2000x128xf32, #tpu.memory_space<vmem>>, vector<1x2000x128xf32>
    %get3A_19 = vector.shape_cast %get3A_18 : vector<1x2000x128xf32> to vector<2000x128xf32>
    %add3A_20 = arith.addf %get3A_14, %get3A_19 : vector<2000x128xf32>
    %broadcast_in_dim3A = vector.shape_cast %rsqrt3A : vector<2000xf32> to vector<2000x1xf32>
    %mul3A = vector.broadcast %broadcast_in_dim3A : vector<2000x1xf32> to vector<2000x128xf32>
    %mul3A_21 = arith.mulf %add3A_20, %mul3A : vector<2000x128xf32>
    %get3A_22 = arith.constant 0 : index
    %get3A_23 = arith.constant 0 : index
    %get3A_24 = vector.load %arg3[%get3A_22, %get3A_23] : memref<1x128xf32, #tpu.memory_space<vmem>>, vector<1x128xf32>
    %add3A_25 = vector.broadcast %get3A_24 : vector<1x128xf32> to vector<2000x128xf32>
    %add3A_26 = arith.addf %mul3A_21, %add3A_25 : vector<2000x128xf32>
    %swap3A = arith.constant 0 : index
    %swap3A_27 = arith.constant 0 : index
    %swap3A_28 = vector.load %arg4[%swap3A, %swap3A_27] : memref<2000x128xf32, #tpu.memory_space<vmem>>, vector<2000x128xf32>
    tpu.vector_store %arg4[%swap3A, %swap3A_27], %add3A_26 {strides = array<i32>} : memref<2000x128xf32, #tpu.memory_space<vmem>>, vector<2000x128xf32>,
    return
  }
  func.func @transform_0(%arg0: i32) -> (i32, i32, i32) {
    %c0_i32 = arith.constant 0 : i32
    %c0_i32_0 = arith.constant 0 : i32
    %c0_i32_1 = arith.constant 0 : i32
    return %c0_i32, %arg0, %c0_i32_0 : i32, i32, i32
  }
  func.func @transform_1(%arg0: i32) -> (i32, i32) {
    %c0_i32 = arith.constant 0 : i32
    %c0_i32_0 = arith.constant 0 : i32
    return %arg0, %c0_i32 : i32, i32
  }
  func.func @transform_2(%arg0: i32) -> (i32, i32) {
    %c0_i32 = arith.constant 0 : i32
    %c0_i32_0 = arith.constant 0 : i32
    %c0_i32_1 = arith.constant 0 : i32
    return %c0_i32, %c0_i32_0 : i32, i32
  }
  func.func @transform_3(%arg0: i32) -> (i32, i32) {
    %c0_i32 = arith.constant 0 : i32
    %c0_i32_0 = arith.constant 0 : i32
    return %arg0, %c0_i32 : i32, i32
  }
}

</mosaic_0001>

<sc_bundles>
// kernel: kernel.6.cloned.1.call-start
scs
__scs_entry_jumppad:
0x0: {  	(pc) =	sbr.rel $0x88, $3  }
0x1: {  	(tag) =	ssettag $0x0;
	lr =	simm.s32 $0x1  }
0x2: {  	[smem:$0x3F9D] =	sst lr;
	_ =	strace $0xD0000000  }
0x3: {  	_ = 	snop  }
0x4: {  	_ = 	snop  }
0x5: {  	_ = 	snop  }
0x6: {  	_ = 	snop  }
0x7: {  	_ = 	snop  }
__scs_overlays_trampoline_lowered:
0x8: {  	[smem:$0x3FAC] =	sst s0  }
0x9: {  	[smem:$0x3FAD] =	sst s1  }
0xa: {  	[smem:$0x3FAE] =	sst s2  }
0xb: {  	[smem:$0x3FAF] =	sst s3  }
0xc: {  	[smem:$0x3FB0] =	sst s4  }
0xd: {  	[smem:$0x3FB1] =	sst s5  }
0xe: {  	[smem:$0x3FB2] =	sst s6  }
0xf: {  	[smem:$0x3FB3] =	sst s7  }
0x10: {  	[smem:$0x3FB4] =	sst s8  }
0x11: {  	[smem:$0x3FB5] =	sst s9;
	s0 =	simm.s32 @!p0 $0x0  }
0x12: {  	s1 =	sld [smem:$0x3F9B];
	s0 =	simm.s32 @p0 $0x1  }
0x13: {  	[smem:$0x3FB6] =	sst s0;
	s0 =	simm.s32 @!p1 $0x0  }
0x14: {  	s2 =	sld [smem:$0x3F9A];
	s0 =	simm.s32 @p1 $0x1  }
0x15: {  	[smem:$0x3FB7] =	sst s0;
	s0 =	simm.s32 @!p2 $0x0  }
0x16: {  	s3 =	sld [smem:$0x3FDB];
	s0 =	simm.s32 @p2 $0x1  }
0x17: {  	s4 =	simm.s32 $0x1BF5;
	[smem:$0x3FB9] =	sst s0  }
0x18: {  	s0 =	sld [smem:$0x3F9C];
	_ =	swait.ge [sflag:s4], $0x0  }
0x19: {  	s7 =	sld [smem:$0x3F9D]  }
0x1a: {  	s8 =	sadd.s32 $0xFFFFE003, lr  }
0x1b: {  	s9 =	sadd.s32 $0xFFFFFEF7, lr;
	s5 =	simm.s32 $0xFFFFFFFF;
	p2 =	slt.u32 s8, $0xFFFFF086  }
0x1c: {  	p1 =	slt.u32 s9, $0xF7A;
	s5 =	simm.s32 @!p2 $0x0  }
0x1d: {  	s5 =	simm.s32 @p1 $0x1;
	p0 =	seq.s32 s7, s2  }
0x1e: {  	s7 =	smul.u32 @!p0 $0xF7A, s2;
	p2 =	seq.s32 @!p0 s5, $0x0  }
0x1f: {  	s9 =	smul.u32 $0xF7A, s1;
	s8 =	simm.s32 @!p0 $0x1BF5;
	p2 =	por !p2, p0  }
0x20: {  	[sflag:s8] =	ssyncset.s32 @!p0 $0xFFFFF086;
	s6 =	sadd.s32 @!p0 s3, s7;
	s7 =	simm.s32 @!p0 $0x108  }
0x21: {  	s3 =	sadd.s32 s3, s9;
	s6 =	sadd.s32 @!p0 $0x88, s6;
	s7 =	simm.s32 @p2 $0x1082  }
0x22: {  	[simem:s7], [sflag:s8] =	dma.local @!p0 [hbm:s6], $0xF7A  }
0x23: {  	s9 =	sor.u32 $0xD0000000, s2;
	s6 =	simm.s32 $0x108;
	_ =	swait.ge @!p0 [sflag:s8], $0x0  }
0x24: {  	s3 =	sadd.s32 $0x88, s3;
	s6 =	simm.s32 @!p1 $0x1082;
	[sflag:s4] =	ssyncset.s32 $0xFFFFF086  }
0x25: {  	[simem:s6], [sflag:s4] =	dma.local [hbm:s3], $0xF7A  }
0x26: {  	[smem:$0x3F9D] =	sst s1;
	(tag) =	ssettag s2;
	_ =	strace s9  }
0x27: {  	s1 =	sld [smem:$0x3FAD]  }
0x28: {  	s2 =	sld [smem:$0x3FAE]  }
0x29: {  	s4 =	sld [smem:$0x3FB0]  }
0x2a: {  	p0 =	seq.s32 s5, $0x0;
	s5 =	sld [smem:$0x3FB1]  }
0x2b: {  	s6 =	sld [smem:$0x3FB2]  }
0x2c: {  	s7 =	sld [smem:$0x3FB3]  }
0x2d: {  	s3 =	simm.s32 $0x108;
	s8 =	sld [smem:$0x3FB4]  }
0x2e: {  	s3 =	simm.s32 @!p0 $0x1082;
	s9 =	sld [smem:$0x3FB5]  }
0x2f: {  	lr =	sadd.s32 s0, s3;
	s0 =	sld [smem:$0x3FAC]  }
0x30: {  	s3 =	sld [smem:$0x3FAF]  }
0x31: {  	[smem:$0x3FB8] =	sst s10  }
0x32: {  	s10 =	sld [smem:$0x3FB6];
	_ =	sdelay $0x3  }
0x33: {  	p0 =	seq.s32 s10, $0x1;
	s10 =	sld [smem:$0x3FB8];
	_ =	sdelay $0x3  }
0x34: {  	[smem:$0x3FB8] =	sst s10  }
0x35: {  	s10 =	sld [smem:$0x3FB7];
	_ =	sdelay $0x3  }
0x36: {  	p1 =	seq.s32 s10, $0x1;
	s10 =	sld [smem:$0x3FB8];
	_ =	sdelay $0x3  }
0x37: {  	[smem:$0x3FB8] =	sst s10  }
0x38: {  	s10 =	sld [smem:$0x3FB9]  }
0x39: {  	_ = 	snop;
	(pc) =	sbr.ind lr, $3  }
0x3a: {  	_ = 	snop  }
0x3b: {  	_ = 	snop  }
0x3c: {  	p2 =	seq.s32 s10, $0x1;
	s10 =	sld [smem:$0x3FB8]  }
0x3d: {  	_ =	shalt  }
0x3e: {  	_ =	shalt  }
0x3f: {  	_ =	shalt  }
0x40: {  	_ =	shalt  }
0x41: {  	_ =	shalt  }
0x42: {  	_ =	shalt  }
0x43: {  	_ =	shalt  }
0x44: {  	_ =	shalt  }
0x45: {  	_ =	shalt  }
0x46: {  	_ =	shalt  }
0x47: {  	_ =	shalt  }
0x48: {  	_ =	shalt  }
0x49: {  	_ =	shalt  }
0x4a: {  	_ =	shalt  }
0x4b: {  	_ =	shalt  }
0x4c: {  	_ =	shalt  }
0x4d: {  	_ =	shalt  }
0x4e: {  	_ =	shalt  }
0x4f: {  	_ =	shalt  }
0x50: {  	_ =	shalt  }
0x51: {  	_ =	shalt  }
0x52: {  	_ =	shalt  }
0x53: {  	_ =	shalt  }
0x54: {  	_ =	shalt  }
0x55: {  	_ =	shalt  }
0x56: {  	_ =	shalt  }
0x57: {  	_ =	shalt  }
0x58: {  	_ =	shalt  }
0x59: {  	_ =	shalt  }
0x5a: {  	_ =	shalt  }
0x5b: {  	_ =	shalt  }
0x5c: {  	_ =	shalt  }
0x5d: {  	_ =	shalt  }
0x5e: {  	_ =	shalt  }
0x5f: {  	_ =	shalt  }
0x60: {  	_ =	shalt  }
0x61: {  	_ =	shalt  }
0x62: {  	_ =	shalt  }
0x63: {  	_ =	shalt  }
0x64: {  	_ =	shalt  }
0x65: {  	_ =	shalt  }
0x66: {  	_ =	shalt  }
0x67: {  	_ =	shalt  }
0x68: {  	_ =	shalt  }
0x69: {  	_ =	shalt  }
0x6a: {  	_ =	shalt  }
0x6b: {  	_ =	shalt  }
0x6c: {  	_ =	shalt  }
0x6d: {  	_ =	shalt  }
0x6e: {  	_ =	shalt  }
0x6f: {  	_ =	shalt  }
0x70: {  	_ =	shalt  }
0x71: {  	_ =	shalt  }
0x72: {  	_ =	shalt  }
0x73: {  	_ =	shalt  }
0x74: {  	_ =	shalt  }
0x75: {  	_ =	shalt  }
0x76: {  	_ =	shalt  }
0x77: {  	_ =	shalt  }
0x78: {  	_ =	shalt  }
0x79: {  	_ =	shalt  }
0x7a: {  	_ =	shalt  }
0x7b: {  	_ =	shalt  }
0x7c: {  	_ =	shalt  }
0x7d: {  	_ =	shalt  }
0x7e: {  	_ =	shalt  }
0x7f: {  	_ =	shalt  }
0x80: {  	_ =	shalt  }
0x81: {  	_ =	shalt  }
0x82: {  	_ =	shalt  }
0x83: {  	_ =	shalt  }
0x84: {  	_ =	shalt  }
0x85: {  	_ =	shalt  }
0x86: {  	_ =	shalt  }
0x87: {  	_ =	shalt  }
.Lfunc_end0:
.L_simem_size_0:
called_computation_lowered:
.L_overlay_start_0:
0x88: {  	s2 =	sld [smem:$0x3FD9]  }
0x89: {  	s3 =	sld [smem:$0x3FFE];
	_ =	sdelay $0x1  }
0x8a: {  	s1 =	srdreg.scid  }
0x8b: {  	s0 =	sand.u32 $0x1, s1  }
0x8c: {  	s17 =	sshll.u32 s0, $0xA;
	s2 =	sadd.s32 s3, s2  }
0x8d: {  	s2 =	sadd.s32 s2, s17  }
0x8e: {  	[smem:$0x3FC4] =	sst s2  }
0x8f: {  	_ = 	snop  }
0x90: {  	s2 =	sld [smem:$0x3FD0];
	(tm) =	ssettm $0x1  }
0x91: {  	s18 =	sld [smem:$0x3FFB];
	_ =	sdelay $0x3  }
0x92: {  	_ =	strace s18  }
0x93: {  	s3 =	sld [smem:$0x3FFC];
	_ =	sdelay $0x3  }
0x94: {  	_ =	strace s3  }
0x95: {  	s3 =	sld [smem:$0x3FFD];
	_ =	sdelay $0x3  }
0x96: {  	_ =	strace s3  }
0x97: {  	_ =	strace $0x8FFFFFFF  }
0x98: {  	s19 =	sld [smem:$0x3FDB];
	_ =	sdelay $0x1  }
0x99: {  	s4 =	simm.s32 $_scs_section_size  }
0x9a: {  	s5 =	simm.s32 $_size__tile_overlayer_lowered;
	s6 =	simm.s32 $_tile_overlayer_lowered  }
0x9b: {  	s22 =	simm.s32 $0x1BFF;
	s21 =	sshll.u32 s6, $0x1;
	s3 =	sadd.s32 s4, s19  }
0x9c: {  	s7 =	simm.s32 $0x0;
	s20 =	sshll.u32 s5, $0x1;
	s5 =	sadd.s32 s21, s3  }
0x9d: {  	[timem:s7], [sflag:s22] =	dma.local [hbm:s5], s20  }
0x9e: {  	_ =	swait.ge [sflag:s22], s20  }
0x9f: {  	s4 =	ssub.s32 $0x0, s20;
	[sflag:s22] =	ssyncset.done $0x0  }
0xa0: {  	[sflag:s22] =	ssyncadd.s32 s4;
	_ =	sdelay $0x1  }
0xa1: {  	s23 =	simm.s32 $0x1B8B  }
0xa2: {  	_ =	swait.ge [sflag:s23], $0x1  }
0xa3: {  	[sflag:s23] =	ssyncset.done $0x0  }
0xa4: {  	s25 =	simm.s32 $0x1B8E;
	s24 =	sld [smem:$0x3FFE];
	[sflag:s23] =	ssyncadd.s32 $0xFFFFFFFF  }
0xa5: {  	s26 =	simm.s32 $execute0_lowered;
	[smem:$0x3FD2] =	sst s25  }
0xa6: {  	s5 =	sshll.u32 s26, $0x1;
	_ =	strace $0x80000046;
	[dreg:$0x1] =	wrdreg $0xFFFFFFFF  }
0xa7: {  	s28 =	simm.s32 $_size_execute0_lowered;
	s3 =	sadd.s32 s3, s5;
	[dreg:$0x0] =	wrdreg $0x0  }
0xa8: {  	s5 =	sshll.u32 s28, $0x1;
	[dreg:$0x2] =	wrdreg s3  }
0xa9: {  	[dreg:$0x3] =	wrdreg s5  }
0xaa: {  	[dreg:$0x4] =	wrdreg $0xC0  }
0xab: {  	_ =	task [dreg:s7], $0x5FFFF  }
0xac: {  	[dreg:$0x1] =	wrdreg $0xFFFFFFFF  }
0xad: {  	[dreg:$0x0] =	wrdreg $0x60  }
0xae: {  	[dreg:$0x2] =	wrdreg s24  }
0xaf: {  	[dreg:$0x3] =	wrdreg s2  }
0xb0: {  	[dreg:$0x4] =	wrdreg $0x28800  }
0xb1: {  	[dreg:$0x5] =	wrdreg $0x9  }
0xb2: {  	_ =	task.clear_ibuf [dreg:s7], $0x6FFFF;
	_ =	strace $0x90000046  }
0xb3: {  	s29 =	simm.s32 $0x9;
	_ =	strace $0x80000048  }
0xb4: {  	_ =	swait.ge [sflag:s29], $0x1  }
0xb5: {  	[sflag:s29] =	ssyncadd.s32 $0xFFFFFFFF  }
0xb6: {  	_ =	strace $0x90000048  }
0xb7: {  	_ =	sfence  }
0xb8: {  	s30 =	sld [smem:$0x0];
	_ =	sdelay $0x2  }
0xb9: {  	s31 =	sshll.u32 s1, $0xD;
	s1 =	sshrl.u32 s1, $0x2  }
0xba: {  	s3 =	sand.u32 $0x4000, s31;
	s1 =	sadd.s32 s1, s30  }
0xbb: {  	s0 =	sor.u32 s3, s0;
	s1 =	sshll.u32 s1, $0x11  }
0xbc: {  	s0 =	sor.u32 s1, s0  }
0xbd: {  	s0 =	sadd.s32 $0x8F2B, s0  }
0xbe: {  	[sflag:s0] =	ssyncadd.remote.s32 $0x1  }
0xbf: {  	_ =	sfence.sel $0xFFFF  }
0xc0: {  	[dreg:$0x0] =	wrdreg $0xFFFFFFFF;
	(pc) =	sbr.abs _section_cstart, $3  }
0xc1: {  	[dreg:$0x1] =	wrdreg $0xFFFFFFFF  }
0xc2: {  	_ =	task.clear_ibuf [dreg:s7], $0x2FFFF;
	_ =	strace $0x9FFFFFFF  }
0xc3: {  	(tm) =	ssettm $0x7FFFFFFF  }
tec
execute0_lowered:
.L_overlay_start_1:
0x0: {  	(tag) =	ssettag $0x1  }
0x1: {  	s5 =	rddreg [dreg:$0x0]  }
0x2: {  	s1 =	srdreg.scid;
	s7 =	rddreg [dreg:$0x1]  }
0x3: {  	s0 =	stileid.u32;
	s2 =	rddreg [dreg:$0x2]  }
0x4: {  	s3 =	simm.s32 $0x0;
	s13 =	simm.s32 $0x80;
	s14 =	simm.s32 $0x20  }
0x5: {  	s15 =	simm.s32 $0x10;
	s16 =	simm.s32 $0x0;
	s6 =	sand.u32 $0x1, s1  }
0x6: {  	s29 =	sshll.u32 s0, $0x1;
	s1 =	rddreg [dreg:$0x3];
	s10 =	smul.u32 $0x500, s0  }
0x7: {  	[smem:$0x7FF] =	sst s3;
	s12 =	smul.u32 $0xA00, s0;
	s31 =	sshll.u32 s0, $0x6  }
0x8: {  	s4 =	sor.u32 s6, s29;
	_ =	strace $0x80000047;
	s9 =	ssub.s32 $0x2, s6  }
0x9: {  	s6 =	sshll.u32 s6, $0x7;
	s4 =	smul.u32 $0x500, s4;
	s11 =	sshrl.u32 s9, $0x1  }
0xa: {  	s10 =	sor.u32 s6, s10;
	s30 =	sshrl.u32 s12, $0x2;
	s9 =	ssub.s32 s9, s11  }
0xb: {  	s10 =	sshrl.u32 s10, $0x3;
	s12 =	sadd.s32 s30, s2;
	s11 =	sor.u32 $0x1C01, s31  }
0xc: {  	s8 =	sadd.s32 s4, s5;
	s4 =	sadd.s32 $0xB000, s5;
	s5 =	sadd.s32 $0xB200, s5  }
0xd: {  	s7 =	sadd.s32 s7, s10;
	s10 =	simm.s32 $0x1;
	s12 =	sshrl.u32 s12, $0x3  }
0xe: {  	s6 =	sadd.s32 $0x1000, s8;
	s8 =	smax.u32 s9, $0x1;
	s9 =	simm.s32 $0x2800  }
.LBB2_1:
0xf: {  	[tilespmem:s9], [sflag:$0x1] =	stream.linear.gather [hbm4b:s4+s3], $0x80, $0x38;
	[tilespmem:$0x2B00] =	vst v63  }
0x10: {  	_ =	swait.ge [sflag:s10], $0x80  }
0x11: {  	[sflag:s10] =	ssyncset.done $0x0  }
0x12: {  	[sflag:s10] =	ssyncadd.s32 $0xFFFFFF80  }
0x13: {  	[tilespmem:s3], [sflag:$0x1] =	stream.linear.gather [hbm4b:s6+s3], $0x2780, $0x38;
	[tilespmem:$0x2B00] =	vst v63  }
0x14: {  	_ =	swait.ge [sflag:s10], $0x2780  }
0x15: {  	[sflag:s10] =	ssyncset.done $0x0  }
0x16: {  	[sflag:s10] =	ssyncadd.s32 $0xFFFFD880  }
0x17: {  	[spmem:s12], [sflag:s11] =	dma.local [hbm:s5], $0x50  }
0x18: {  	_ =	swait.ge [sflag:s10], $0x50  }
0x19: {  	[sflag:s10] =	ssyncset.done $0x0  }
0x1a: {  	[sflag:s10] =	ssyncadd.s32 $0xFFFFFFB0  }
0x1b: {  	s17 =	simm.s32 $0x0;
	[bflag:$0x0] =	sbarrier.arrive $0xFFFF  }
0x1c: {  	[spmem:s2] =	stream.indirect.scatter.add.f32 [tilespmem:s9], [sflag:$0x1], $0x1, s17, s13, $0xb8;
	[tilespmem:$0x2B00] =	vst v63  }
0x1d: {  	_ =	swait.ge [sflag:s10], $0x80  }
0x1e: {  	s17 =	simm.s32 $0x200;
	[sflag:s10] =	ssyncset.done $0x0  }
.LBB2_2:
0x1f: {  	s18 =	sshra.s32 s17, $0x2;
	[sflag:s10] =	ssyncadd.s32 $0xFFFFFF80;
	p0 =	sne.s32 s17, $0x9C00  }
0x20: {  	[spmem:s2] =	stream.indirect.scatter.add.f32 [tilespmem:s9], [sflag:$0x1], $0x1, s18, s13, $0xb8;
	[tilespmem:$0x2B00] =	vst v63  }
.Ltmp0:
0x21: {  	_ = 	snop;
	(pc) =	sbr.rel @p0 .LBB2_2-.Ltmp0, $4  }
0x22: {  	_ = 	snop  }
0x23: {  	s17 =	sadd.s32 $0x200, s17  }
0x24: {  	_ =	swait.ge [sflag:s10], $0x80  }
0x25: {  	[sflag:s10] =	ssyncset.done $0x0  }
0x26: {  	s16 =	sadd.s32 $0x1, s16  }
0x27: {  	[sflag:s10] =	ssyncadd.s32 $0xFFFFFF80;
	p0 =	sne.s32 s16, s8  }
.Ltmp1:
0x28: {  	[bflag:$0x0] =	sbarrier.arrive $0xFFFF;
	(pc) =	sbr.rel @p0 .LBB2_1-.Ltmp1, $4  }
0x29: {  	[hbm:s7@s14], [sflag:s11] =	dma.strided [spmem:s12@s15], $0x50, s10, $0x10   }
0x2a: {  	_ =	swait.ge [sflag:s10], $0x50  }
0x2b: {  	[sflag:s10] =	ssyncset.done $0x0  }
0x2c: {  	[sflag:s10] =	ssyncadd.s32 $0xFFFFFFB0  }
0x2d: {  	_ =	sfence.sel $0x180000  }
0x2e: {  	[bflag:$0x0] =	sbarrier.arrive $0xFFFF  }
0x2f: {  	p0 =	sne.s32 s0, $0x0;
	_ =	strace $0x90000047  }
0x30: {  	s0 =	sadd.s32 @!p0 $0x100000, s1;
	[bflag:$0x2] =	sbarrier.arrive $0xFFFF  }
0x31: {  	[sflag:s0] =	ssyncadd.tile.s32 @!p0 $0x1;
	_ =	shalt  }
.Lfunc_end2:
_tile_overlayer_lowered:
.L_overlay_start_2:
0x32: {  	(tag) =	ssettag $0x2  }
0x33: {  	s0 =	rddreg [dreg:$0x0];
	s2 =	stileid.u32  }
0x34: {  	s1 =	rddreg [dreg:$0x1];
	p0 =	sne.s32 s2, $0x0  }
0x35: {  	s3 =	rddreg [dreg:$0x2];
	[bflag:$0x3] =	sbarrier.arrive $0xFFFF;
	s2 =	simm.s32 @!p0 $0x1C01  }
0x36: {  	[timem:s3], [sflag:s2] =	dma.local @!p0 [hbm:s0], s1  }
0x37: {  	s0 =	simm.s32 @!p0 $0x1  }
0x38: {  	_ =	swait.ge @!p0 [sflag:s0], s1  }
0x39: {  	s1 =	ssub.s32 @!p0 $0x0, s1;
	[sflag:s0] =	ssyncset.done @!p0 $0x0  }
0x3a: {  	[sflag:s0] =	ssyncadd.s32 @!p0 s1  }
0x3b: {  	[bflag:$0x3] =	sbarrier.arrive $0xFFFF  }
0x3c: {  	_ =	shalt  }

// kernel: kernel.9.cloned.1.call-start
scs
__scs_entry_jumppad:
0x0: {  	(pc) =	sbr.rel $0x88, $3  }
0x1: {  	(tag) =	ssettag $0x0;
	lr =	simm.s32 $0x1  }
0x2: {  	[smem:$0x3F9D] =	sst lr;
	_ =	strace $0xD0000000  }
0x3: {  	_ = 	snop  }
0x4: {  	_ = 	snop  }
0x5: {  	_ = 	snop  }
0x6: {  	_ = 	snop  }
0x7: {  	_ = 	snop  }
__scs_overlays_trampoline_lowered:
0x8: {  	[smem:$0x3FAC] =	sst s0  }
0x9: {  	[smem:$0x3FAD] =	sst s1  }
0xa: {  	[smem:$0x3FAE] =	sst s2  }
0xb: {  	[smem:$0x3FAF] =	sst s3  }
0xc: {  	[smem:$0x3FB0] =	sst s4  }
0xd: {  	[smem:$0x3FB1] =	sst s5  }
0xe: {  	[smem:$0x3FB2] =	sst s6  }
0xf: {  	[smem:$0x3FB3] =	sst s7  }
0x10: {  	[smem:$0x3FB4] =	sst s8  }
0x11: {  	[smem:$0x3FB5] =	sst s9;
	s0 =	simm.s32 @!p0 $0x0  }
0x12: {  	s1 =	sld [smem:$0x3F9B];
	s0 =	simm.s32 @p0 $0x1  }
0x13: {  	[smem:$0x3FB6] =	sst s0;
	s0 =	simm.s32 @!p1 $0x0  }
0x14: {  	s2 =	sld [smem:$0x3F9A];
	s0 =	simm.s32 @p1 $0x1  }
0x15: {  	[smem:$0x3FB7] =	sst s0;
	s0 =	simm.s32 @!p2 $0x0  }
0x16: {  	s3 =	sld [smem:$0x3FDB];
	s0 =	simm.s32 @p2 $0x1  }
0x17: {  	s4 =	simm.s32 $0x1BF5;
	[smem:$0x3FB9] =	sst s0  }
0x18: {  	s0 =	sld [smem:$0x3F9C];
	_ =	swait.ge [sflag:s4], $0x0  }
0x19: {  	s7 =	sld [smem:$0x3F9D]  }
0x1a: {  	s8 =	sadd.s32 $0xFFFFE003, lr  }
0x1b: {  	s9 =	sadd.s32 $0xFFFFFEF7, lr;
	s5 =	simm.s32 $0xFFFFFFFF;
	p2 =	slt.u32 s8, $0xFFFFF086  }
0x1c: {  	p1 =	slt.u32 s9, $0xF7A;
	s5 =	simm.s32 @!p2 $0x0  }
0x1d: {  	s5 =	simm.s32 @p1 $0x1;
	p0 =	seq.s32 s7, s2  }
0x1e: {  	s7 =	smul.u32 @!p0 $0xF7A, s2;
	p2 =	seq.s32 @!p0 s5, $0x0  }
0x1f: {  	s9 =	smul.u32 $0xF7A, s1;
	s8 =	simm.s32 @!p0 $0x1BF5;
	p2 =	por !p2, p0  }
0x20: {  	[sflag:s8] =	ssyncset.s32 @!p0 $0xFFFFF086;
	s6 =	sadd.s32 @!p0 s3, s7;
	s7 =	simm.s32 @!p0 $0x108  }
0x21: {  	s3 =	sadd.s32 s3, s9;
	s6 =	sadd.s32 @!p0 $0x88, s6;
	s7 =	simm.s32 @p2 $0x1082  }
0x22: {  	[simem:s7], [sflag:s8] =	dma.local @!p0 [hbm:s6], $0xF7A  }
0x23: {  	s9 =	sor.u32 $0xD0000000, s2;
	s6 =	simm.s32 $0x108;
	_ =	swait.ge @!p0 [sflag:s8], $0x0  }
0x24: {  	s3 =	sadd.s32 $0x88, s3;
	s6 =	simm.s32 @!p1 $0x1082;
	[sflag:s4] =	ssyncset.s32 $0xFFFFF086  }
0x25: {  	[simem:s6], [sflag:s4] =	dma.local [hbm:s3], $0xF7A  }
0x26: {  	[smem:$0x3F9D] =	sst s1;
	(tag) =	ssettag s2;
	_ =	strace s9  }
0x27: {  	s1 =	sld [smem:$0x3FAD]  }
0x28: {  	s2 =	sld [smem:$0x3FAE]  }
0x29: {  	s4 =	sld [smem:$0x3FB0]  }
0x2a: {  	p0 =	seq.s32 s5, $0x0;
	s5 =	sld [smem:$0x3FB1]  }
0x2b: {  	s6 =	sld [smem:$0x3FB2]  }
0x2c: {  	s7 =	sld [smem:$0x3FB3]  }
0x2d: {  	s3 =	simm.s32 $0x108;
	s8 =	sld [smem:$0x3FB4]  }
0x2e: {  	s3 =	simm.s32 @!p0 $0x1082;
	s9 =	sld [smem:$0x3FB5]  }
0x2f: {  	lr =	sadd.s32 s0, s3;
	s0 =	sld [smem:$0x3FAC]  }
0x30: {  	s3 =	sld [smem:$0x3FAF]  }
0x31: {  	[smem:$0x3FB8] =	sst s10  }
0x32: {  	s10 =	sld [smem:$0x3FB6];
	_ =	sdelay $0x3  }
0x33: {  	p0 =	seq.s32 s10, $0x1;
	s10 =	sld [smem:$0x3FB8];
	_ =	sdelay $0x3  }
0x34: {  	[smem:$0x3FB8] =	sst s10  }
0x35: {  	s10 =	sld [smem:$0x3FB7];
	_ =	sdelay $0x3  }
0x36: {  	p1 =	seq.s32 s10, $0x1;
	s10 =	sld [smem:$0x3FB8];
	_ =	sdelay $0x3  }
0x37: {  	[smem:$0x3FB8] =	sst s10  }
0x38: {  	s10 =	sld [smem:$0x3FB9]  }
0x39: {  	_ = 	snop;
	(pc) =	sbr.ind lr, $3  }
0x3a: {  	_ = 	snop  }
0x3b: {  	_ = 	snop  }
0x3c: {  	p2 =	seq.s32 s10, $0x1;
	s10 =	sld [smem:$0x3FB8]  }
0x3d: {  	_ =	shalt  }
0x3e: {  	_ =	shalt  }
0x3f: {  	_ =	shalt  }
0x40: {  	_ =	shalt  }
0x41: {  	_ =	shalt  }
0x42: {  	_ =	shalt  }
0x43: {  	_ =	shalt  }
0x44: {  	_ =	shalt  }
0x45: {  	_ =	shalt  }
0x46: {  	_ =	shalt  }
0x47: {  	_ =	shalt  }
0x48: {  	_ =	shalt  }
0x49: {  	_ =	shalt  }
0x4a: {  	_ =	shalt  }
0x4b: {  	_ =	shalt  }
0x4c: {  	_ =	shalt  }
0x4d: {  	_ =	shalt  }
0x4e: {  	_ =	shalt  }
0x4f: {  	_ =	shalt  }
0x50: {  	_ =	shalt  }
0x51: {  	_ =	shalt  }
0x52: {  	_ =	shalt  }
0x53: {  	_ =	shalt  }
0x54: {  	_ =	shalt  }
0x55: {  	_ =	shalt  }
0x56: {  	_ =	shalt  }
0x57: {  	_ =	shalt  }
0x58: {  	_ =	shalt  }
0x59: {  	_ =	shalt  }
0x5a: {  	_ =	shalt  }
0x5b: {  	_ =	shalt  }
0x5c: {  	_ =	shalt  }
0x5d: {  	_ =	shalt  }
0x5e: {  	_ =	shalt  }
0x5f: {  	_ =	shalt  }
0x60: {  	_ =	shalt  }
0x61: {  	_ =	shalt  }
0x62: {  	_ =	shalt  }
0x63: {  	_ =	shalt  }
0x64: {  	_ =	shalt  }
0x65: {  	_ =	shalt  }
0x66: {  	_ =	shalt  }
0x67: {  	_ =	shalt  }
0x68: {  	_ =	shalt  }
0x69: {  	_ =	shalt  }
0x6a: {  	_ =	shalt  }
0x6b: {  	_ =	shalt  }
0x6c: {  	_ =	shalt  }
0x6d: {  	_ =	shalt  }
0x6e: {  	_ =	shalt  }
0x6f: {  	_ =	shalt  }
0x70: {  	_ =	shalt  }
0x71: {  	_ =	shalt  }
0x72: {  	_ =	shalt  }
0x73: {  	_ =	shalt  }
0x74: {  	_ =	shalt  }
0x75: {  	_ =	shalt  }
0x76: {  	_ =	shalt  }
0x77: {  	_ =	shalt  }
0x78: {  	_ =	shalt  }
0x79: {  	_ =	shalt  }
0x7a: {  	_ =	shalt  }
0x7b: {  	_ =	shalt  }
0x7c: {  	_ =	shalt  }
0x7d: {  	_ =	shalt  }
0x7e: {  	_ =	shalt  }
0x7f: {  	_ =	shalt  }
0x80: {  	_ =	shalt  }
0x81: {  	_ =	shalt  }
0x82: {  	_ =	shalt  }
0x83: {  	_ =	shalt  }
0x84: {  	_ =	shalt  }
0x85: {  	_ =	shalt  }
0x86: {  	_ =	shalt  }
0x87: {  	_ =	shalt  }
.Lfunc_end0:
.L_simem_size_0:
called_computation.1_lowered:
.L_overlay_start_0:
0x88: {  	s2 =	sld [smem:$0x3FD9]  }
0x89: {  	s3 =	sld [smem:$0x3FFE];
	_ =	sdelay $0x1  }
0x8a: {  	s1 =	srdreg.scid  }
0x8b: {  	s0 =	sand.u32 $0x1, s1  }
0x8c: {  	s17 =	sshll.u32 s0, $0xA;
	s2 =	sadd.s32 s3, s2  }
0x8d: {  	s2 =	sadd.s32 s2, s17  }
0x8e: {  	[smem:$0x3FC4] =	sst s2  }
0x8f: {  	_ = 	snop  }
0x90: {  	s2 =	sld [smem:$0x3FD0];
	(tm) =	ssettm $0x1  }
0x91: {  	s18 =	sld [smem:$0x3FFB];
	_ =	sdelay $0x3  }
0x92: {  	_ =	strace s18  }
0x93: {  	s3 =	sld [smem:$0x3FFC];
	_ =	sdelay $0x3  }
0x94: {  	_ =	strace s3  }
0x95: {  	s3 =	sld [smem:$0x3FFD];
	_ =	sdelay $0x3  }
0x96: {  	_ =	strace s3  }
0x97: {  	_ =	strace $0x8FFFFFFF  }
0x98: {  	s19 =	sld [smem:$0x3FDB];
	_ =	sdelay $0x1  }
0x99: {  	s4 =	simm.s32 $_scs_section_size  }
0x9a: {  	s5 =	simm.s32 $_size__tile_overlayer_lowered;
	s6 =	simm.s32 $_tile_overlayer_lowered  }
0x9b: {  	s22 =	simm.s32 $0x1BFF;
	s21 =	sshll.u32 s6, $0x1;
	s3 =	sadd.s32 s4, s19  }
0x9c: {  	s7 =	simm.s32 $0x0;
	s20 =	sshll.u32 s5, $0x1;
	s5 =	sadd.s32 s21, s3  }
0x9d: {  	[timem:s7], [sflag:s22] =	dma.local [hbm:s5], s20  }
0x9e: {  	_ =	swait.ge [sflag:s22], s20  }
0x9f: {  	s4 =	ssub.s32 $0x0, s20;
	[sflag:s22] =	ssyncset.done $0x0  }
0xa0: {  	[sflag:s22] =	ssyncadd.s32 s4;
	_ =	sdelay $0x1  }
0xa1: {  	s23 =	simm.s32 $0x1B8B  }
0xa2: {  	_ =	swait.ge [sflag:s23], $0x1  }
0xa3: {  	[sflag:s23] =	ssyncset.done $0x0  }
0xa4: {  	s25 =	simm.s32 $0x1B8E;
	s24 =	sld [smem:$0x3FFE];
	[sflag:s23] =	ssyncadd.s32 $0xFFFFFFFF  }
0xa5: {  	s26 =	simm.s32 $execute0_lowered;
	[smem:$0x3FD2] =	sst s25  }
0xa6: {  	s5 =	sshll.u32 s26, $0x1;
	_ =	strace $0x80000049;
	[dreg:$0x1] =	wrdreg $0xFFFFFFFF  }
0xa7: {  	s28 =	simm.s32 $_size_execute0_lowered;
	s3 =	sadd.s32 s3, s5;
	[dreg:$0x0] =	wrdreg $0x0  }
0xa8: {  	s5 =	sshll.u32 s28, $0x1;
	[dreg:$0x2] =	wrdreg s3  }
0xa9: {  	[dreg:$0x3] =	wrdreg s5  }
0xaa: {  	[dreg:$0x4] =	wrdreg $0xC0  }
0xab: {  	_ =	task [dreg:s7], $0x5FFFF  }
0xac: {  	[dreg:$0x1] =	wrdreg $0xFFFFFFFF  }
0xad: {  	[dreg:$0x0] =	wrdreg $0x60  }
0xae: {  	[dreg:$0x2] =	wrdreg s2  }
0xaf: {  	[dreg:$0x3] =	wrdreg s24  }
0xb0: {  	[dreg:$0x4] =	wrdreg $0x90000  }
0xb1: {  	[dreg:$0x5] =	wrdreg $0x9  }
0xb2: {  	_ =	task.clear_ibuf [dreg:s7], $0x6FFFF;
	_ =	strace $0x90000049  }
0xb3: {  	s29 =	simm.s32 $0x9;
	_ =	strace $0x8000004B  }
0xb4: {  	_ =	swait.ge [sflag:s29], $0x1  }
0xb5: {  	[sflag:s29] =	ssyncadd.s32 $0xFFFFFFFF  }
0xb6: {  	_ =	strace $0x9000004B  }
0xb7: {  	_ =	sfence  }
0xb8: {  	s30 =	sld [smem:$0x0];
	_ =	sdelay $0x2  }
0xb9: {  	s31 =	sshll.u32 s1, $0xD;
	s1 =	sshrl.u32 s1, $0x2  }
0xba: {  	s3 =	sand.u32 $0x4000, s31;
	s1 =	sadd.s32 s1, s30  }
0xbb: {  	s0 =	sor.u32 s3, s0;
	s1 =	sshll.u32 s1, $0x11  }
0xbc: {  	s0 =	sor.u32 s1, s0  }
0xbd: {  	s0 =	sadd.s32 $0x8F2B, s0  }
0xbe: {  	[sflag:s0] =	ssyncadd.remote.s32 $0x1  }
0xbf: {  	_ =	sfence.sel $0xFFFF  }
0xc0: {  	[dreg:$0x0] =	wrdreg $0xFFFFFFFF;
	(pc) =	sbr.abs _section_cstart, $3  }
0xc1: {  	[dreg:$0x1] =	wrdreg $0xFFFFFFFF  }
0xc2: {  	_ =	task.clear_ibuf [dreg:s7], $0x2FFFF;
	_ =	strace $0x9FFFFFFF  }
0xc3: {  	(tm) =	ssettm $0x7FFFFFFF  }
tec
execute0_lowered:
.L_overlay_start_1:
0x0: {  	(tag) =	ssettag $0x1  }
0x1: {  	s1 =	rddreg [dreg:$0x0]  }
0x2: {  	s2 =	srdreg.scid;
	s7 =	rddreg [dreg:$0x1]  }
0x3: {  	s0 =	stileid.u32;
	s3 =	rddreg [dreg:$0x2]  }
0x4: {  	s4 =	simm.s32 $0x0;
	s18 =	simm.s32 $0x2;
	s19 =	simm.s32 $0x2800  }
0x5: {  	s20 =	simm.s32 $0x80;
	s21 =	simm.s32 $0x5000;
	s22 =	simm.s32 $0x1  }
0x6: {  	s25 =	simm.s32 $0x0;
	s6 =	sand.u32 $0x1, s2;
	s9 =	smul.u32 $0x14000, s0  }
0x7: {  	s29 =	sshll.u32 s0, $0x1;
	[smem:$0x7FF] =	sst s4;
	s11 =	smul.u32 $0x50000, s0  }
0x8: {  	s13 =	smul.u32 $0x2800, s0;
	s15 =	sadd.s32 $0x12C000, s3;
	s16 =	sadd.s32 $0x138800, s3  }
0x9: {  	s23 =	sshll.u32 s0, $0x6;
	s2 =	sor.u32 s6, s29;
	s8 =	smul.u32 $0x140000, s6  }
0xa: {  	s30 =	ssub.s32 $0x2, s6;
	p0 =	seq.s32 s6, $0x1;
	s23 =	sor.u32 $0x1C02, s23  }
0xb: {  	s5 =	smul.u32 $0x500, s2;
	s2 =	rddreg [dreg:$0x3];
	_ =	strace $0x8000004A  }
0xc: {  	s12 =	sshrl.u32 s30, $0x1;
	s31 =	sshrl.u32 s11, $0x2;
	s6 =	sadd.s32 s1, s13  }
0xd: {  	p2 =	seq.s32 @!p0 s0, $0xF;
	s8 =	sadd.s32 s9, s8;
	s12 =	ssub.s32 s30, s12  }
0xe: {  	s24 =	sadd.s32 s31, s3;
	p1 =	por !p2, p0;
	p2 =	por p2, p0  }
0xf: {  	s10 =	sadd.s32 s5, s7;
	s5 =	sadd.s32 $0x15400, s7;
	s8 =	sshrl.u32 s8, $0x3  }
0x10: {  	s11 =	smax.u32 s12, $0x1;
	s12 =	sshll.u32 @p0 s0, $0x6;
	s13 =	sshrl.u32 @p0 s24, $0x3  }
0x11: {  	s17 =	sshll.u32 @!p2 s0, $0x6;
	s14 =	sadd.s32 s8, s7;
	s7 =	sadd.s32 $0x25800, s1  }
0x12: {  	s8 =	sadd.s32 $0xB400, s10;
	s9 =	sadd.s32 $0x1000, s10;
	s12 =	sor.u32 @p0 $0x1C02, s12  }
0x13: {  	s10 =	sadd.s32 $0x17C00, s14;
	s14 =	sshrl.u32 @!p1 s15, $0x3;
	s15 =	sshrl.u32 @!p1 s16, $0x3  }
0x14: {  	s16 =	sor.u32 @!p2 $0x1C02, s17;
	s17 =	sshrl.u32 @!p2 s24, $0x3;
	s24 =	sshrl.u32 s24, $0x3  }
.LBB2_1:
0x15: {  	[spmem:s13], [sflag:s12] =	dma.local @p0 [hbm:s5], $0x2800  }
0x16: {  	s26 =	simm.s32 @p0 $0x2  }
0x17: {  	_ =	swait.ge @p0 [sflag:s26], $0x2800  }
0x18: {  	[sflag:s26] =	ssyncset.done @p0 $0x0  }
0x19: {  	s28 =	simm.s32 @!p1 $0x2;
	[sflag:s26] =	ssyncadd.s32 @p0 $0xFFFFD800;
	s26 =	simm.s32 @!p1 $0x1FC2  }
0x1a: {  	[spmem:s14], [sflag:s26] =	dma.local @!p1 [hbm:s7], $0x1900  }
0x1b: {  	_ =	swait.ge @!p1 [sflag:s28], $0x1900  }
0x1c: {  	[sflag:s28] =	ssyncset.done @!p1 $0x0  }
0x1d: {  	[sflag:s28] =	ssyncadd.s32 @!p1 $0xFFFFE700  }
0x1e: {  	[spmem:s15], [sflag:s26] =	dma.local @!p1 [hbm:s5], $0xF00  }
0x1f: {  	_ =	swait.ge @!p1 [sflag:s28], $0xF00  }
0x20: {  	[sflag:s28] =	ssyncset.done @!p1 $0x0  }
0x21: {  	s26 =	simm.s32 @!p2 $0x2;
	[sflag:s28] =	ssyncadd.s32 @!p1 $0xFFFFF100  }
0x22: {  	[spmem:s17], [sflag:s16] =	dma.local @!p2 [hbm:s6], $0x2800  }
0x23: {  	_ =	swait.ge @!p2 [sflag:s26], $0x2800  }
0x24: {  	[sflag:s26] =	ssyncset.done @!p2 $0x0  }
0x25: {  	[sflag:s26] =	ssyncadd.s32 @!p2 $0xFFFFD800  }
0x26: {  	[tilespmem:s4], [sflag:$0x2] =	stream.linear.gather [hbm4b:s8+s4], $0x2780, $0x38;
	[tilespmem:$0x1D000] =	vst v63  }
0x27: {  	_ =	swait.ge [sflag:s18], $0x2780  }
0x28: {  	[sflag:s18] =	ssyncset.done $0x0  }
0x29: {  	[sflag:s18] =	ssyncadd.s32 $0xFFFFD880  }
0x2a: {  	[tilespmem:s19], [sflag:$0x2] =	stream.linear.gather [hbm4b:s9+s4], $0x2780, $0x38;
	[tilespmem:$0x1D000] =	vst v63  }
0x2b: {  	_ =	swait.ge [sflag:s18], $0x2780  }
0x2c: {  	[sflag:s18] =	ssyncset.done $0x0  }
0x2d: {  	[sflag:s18] =	ssyncadd.s32 $0xFFFFD880  }
0x2e: {  	s30 =	simm.s32 $0x0;
	[bflag:$0x0] =	sbarrier.arrive $0xFFFF  }
0x2f: {  	[tilespmem:s21], [sflag:$0x1] =	stream.indirect.gather [hbm4b:s1+s20], $0x80, s30, s20, $0xb8;
	[tilespmem:$0x1D000] =	vst v63  }
0x30: {  	_ =	swait.ge [sflag:s22], $0x4000  }
0x31: {  	[sflag:s22] =	ssyncset.done $0x0  }
0x32: {  	s31 =	simm.s32 $0x2800;
	[sflag:s22] =	ssyncadd.s32 $0xFFFFC000  }
0x33: {  	[spmem:s3] =	stream.indirect.scatter.add.f32 [tilespmem:s21], [sflag:$0x2], $0x80, s31, s20, $0xb8;
	[tilespmem:$0x1D000] =	vst v63  }
0x34: {  	_ =	swait.ge [sflag:s18], $0x4000  }
0x35: {  	s28 =	simm.s32 $0x400;
	s26 =	simm.s32 $0x200;
	[sflag:s18] =	ssyncset.done $0x0  }
.LBB2_2:
0x36: {  	s29 =	sshra.s32 s26, $0x2  }
0x37: {  	[sflag:s18] =	ssyncadd.s32 $0xFFFFC000;
	s26 =	smov.u32 s28;
	s30 =	sadd.s32 $0x200, s28  }
0x38: {  	[tilespmem:s21], [sflag:$0x1] =	stream.indirect.gather [hbm4b:s1+s20], $0x80, s29, s20, $0xb8;
	[tilespmem:$0x1D000] =	vst v63  }
0x39: {  	p3 =	sne.s32 s28, $0x9C00;
	_ =	swait.ge [sflag:s22], $0x4000  }
.Ltmp0:
0x3a: {  	[sflag:s22] =	ssyncset.done $0x0;
	(pc) =	sbr.rel @p3 .LBB2_2-.Ltmp0, $4  }
0x3b: {  	s28 =	sadd.s32 $0x2800, s29;
	[sflag:s22] =	ssyncadd.s32 $0xFFFFC000  }
0x3c: {  	[spmem:s3] =	stream.indirect.scatter.add.f32 [tilespmem:s21], [sflag:$0x2], $0x80, s28, s20, $0xb8;
	[tilespmem:$0x1D000] =	vst v63  }
0x3d: {  	_ =	swait.ge [sflag:s18], $0x4000  }
0x3e: {  	s28 =	smov.u32 s30;
	[sflag:s18] =	ssyncset.done $0x0  }
0x3f: {  	s26 =	sshra.s32 s26, $0x2;
	[sflag:s18] =	ssyncadd.s32 $0xFFFFC000  }
0x40: {  	[tilespmem:s21], [sflag:$0x1] =	stream.indirect.gather [hbm4b:s1+s20], $0x80, s26, s20, $0xb8;
	[tilespmem:$0x1D000] =	vst v63  }
0x41: {  	_ =	swait.ge [sflag:s22], $0x4000  }
0x42: {  	[sflag:s22] =	ssyncset.done $0x0  }
0x43: {  	s26 =	sadd.s32 $0x2800, s26;
	[sflag:s22] =	ssyncadd.s32 $0xFFFFC000  }
0x44: {  	[spmem:s3] =	stream.indirect.scatter.add.f32 [tilespmem:s21], [sflag:$0x2], $0x80, s26, s20, $0xb8;
	[tilespmem:$0x1D000] =	vst v63  }
0x45: {  	_ =	swait.ge [sflag:s18], $0x4000  }
0x46: {  	s25 =	sadd.s32 $0x1, s25;
	[sflag:s18] =	ssyncset.done $0x0  }
0x47: {  	p3 =	sne.s32 s25, s11;
	[sflag:s18] =	ssyncadd.s32 $0xFFFFC000  }
.Ltmp1:
0x48: {  	[bflag:$0x0] =	sbarrier.arrive $0xFFFF;
	(pc) =	sbr.rel @p3 .LBB2_1-.Ltmp1, $4  }
0x49: {  	[hbm:s10], [sflag:s23] =	dma.local [spmem:s24], $0x2800  }
0x4a: {  	_ =	swait.ge [sflag:s18], $0x2800  }
0x4b: {  	[sflag:s18] =	ssyncset.done $0x0  }
0x4c: {  	[sflag:s18] =	ssyncadd.s32 $0xFFFFD800  }
0x4d: {  	_ =	sfence.sel $0x180000  }
0x4e: {  	[bflag:$0x0] =	sbarrier.arrive $0xFFFF  }
0x4f: {  	p0 =	sne.s32 s0, $0x0;
	_ =	strace $0x9000004A  }
0x50: {  	s0 =	sadd.s32 @!p0 $0x100000, s2;
	[bflag:$0x2] =	sbarrier.arrive $0xFFFF  }
0x51: {  	[sflag:s0] =	ssyncadd.tile.s32 @!p0 $0x1;
	_ =	shalt  }
.Lfunc_end2:
_tile_overlayer_lowered:
.L_overlay_start_2:
0x52: {  	(tag) =	ssettag $0x2  }
0x53: {  	s0 =	rddreg [dreg:$0x0];
	s2 =	stileid.u32  }
0x54: {  	s1 =	rddreg [dreg:$0x1];
	p0 =	sne.s32 s2, $0x0  }
0x55: {  	s3 =	rddreg [dreg:$0x2];
	[bflag:$0x3] =	sbarrier.arrive $0xFFFF;
	s2 =	simm.s32 @!p0 $0x1C02  }
0x56: {  	[timem:s3], [sflag:s2] =	dma.local @!p0 [hbm:s0], s1  }
0x57: {  	s0 =	simm.s32 @!p0 $0x2  }
0x58: {  	_ =	swait.ge @!p0 [sflag:s0], s1  }
0x59: {  	s1 =	ssub.s32 @!p0 $0x0, s1;
	[sflag:s0] =	ssyncset.done @!p0 $0x0  }
0x5a: {  	[sflag:s0] =	ssyncadd.s32 @!p0 s1  }
0x5b: {  	[bflag:$0x3] =	sbarrier.arrive $0xFFFF  }
0x5c: {  	_ =	shalt  }

</sc_bundles>
